<compile_context>
chip_gen: v7x
topology: tpu7x:2x2x1
jax: 0.10.2.dev20260603
libtpu: 0.0.44.dev20260713+nightly
codegen_flags: <defaults>
</compile_context>

<pallas_src>
import jax
import jax.numpy as jnp
from jax.experimental import pallas as pl
from jax.experimental.pallas import tpu as pltpu
from jax.experimental.pallas import tpu_sc as plsc

_TOPK1 = 33.0
_INV_T = 2.0
_THRESH = 0.5
_B = 4096
_D = 128
_BLK = 256
_NBLK = _B // _BLK
_REFINE_ITERS = 6
_KSCALE = 16000.0
_BINW = 128.0 / _KSCALE
_ROWS_PER_W = _B // 32


def _tca_body(zi_all, keys_ref, zih):
    step = pl.program_id(0)
    f32 = jnp.float32

    @pl.when(step == 0)
    def _():
        Zi = zi_all[...]
        inv_i = jax.lax.rsqrt(jnp.maximum(jnp.sum(Zi * Zi, 1, keepdims=True), 1e-12))
        zih[...] = Zi * inv_i

    Zih = zih[...]
    a = zih[pl.ds(step * _BLK, _BLK), :]
    sx = jax.lax.dot_general(a, Zih, (((1,), (1,)), ((), ())),
                             preferred_element_type=f32)
    k = jnp.clip((sx + 1.01) * _KSCALE, 0.0, 32767.0)
    keys_ref[...] = k.astype(jnp.int32)


def _sc_body(keys_hbm, out_hbm, rowbuf, hist, vstage):
    i32 = jnp.int32
    wid = jax.lax.axis_index("s") * 2 + jax.lax.axis_index("c")
    lane = jax.lax.iota(i32, 16)
    stripe = lane * 256

    def per_row(r, acc):
        row = wid * _ROWS_PER_W + r
        pltpu.sync_copy(keys_hbm.at[row], rowbuf)

        def reset(i, _):
            hist[pl.ds(i * 16, 16)] = jnp.zeros((16,), i32)
            return 0
        jax.lax.fori_loop(0, 256, reset, 0)

        def fill(i, _):
            v = rowbuf[pl.ds(i * 16, 16)]
            d = jax.lax.shift_right_logical(v, 7)
            plsc.addupdate_scatter(hist, [stripe + d], jnp.ones((16,), i32))
            return 0
        jax.lax.fori_loop(0, 256, fill, 0)

        T = []
        for g in range(16):
            acc = hist[pl.ds(16 * g, 16)]
            for l in range(1, 16):
                acc = acc + hist[pl.ds(l * 256 + 16 * g, 16)]
            T.append(acc)
        s = [jax.lax.reduce_sum_p.bind(t, axes=(0,)) for t in T]

        suf = [jnp.asarray(0, i32)] * 17
        for g in range(15, -1, -1):
            suf[g] = suf[g + 1] + s[g]
        gstar = jnp.asarray(0, i32)
        above = jnp.asarray(0, i32)
        for g in range(15, -1, -1):
            crossing = (suf[g] >= 33) & (suf[g + 1] < 33)
            gstar = jnp.where(crossing, jnp.asarray(g, i32), gstar)
            above = jnp.where(crossing, suf[g + 1], above)

        Tstar = jnp.zeros((16,), i32)
        for g in range(16):
            pick = jax.lax.broadcast_in_dim(gstar == g, (16,), ())
            Tstar = Tstar + jnp.where(pick, T[g], jnp.zeros((16,), i32))

        revcum = jnp.cumsum(jax.lax.rev(Tstar, (0,)))
        need = jax.lax.broadcast_in_dim(33 - above, (16,), ())
        ffs = plsc.all_reduce_ffs(revcum >= need)
        idx = jnp.sum(ffs) // 16 if ffs.ndim == 1 else ffs
        dstar = gstar * 16 + (15 - idx)
        lo = dstar.astype(jnp.float32) * (128.0 / _KSCALE) - 1.01
        acc = jnp.where(lane == (r & 15),
                        jax.lax.broadcast_in_dim(lo, (16,), ()), acc)

        @pl.when((r & 15) == 15)
        def _():
            vstage[pl.ds(r - 15, 16)] = acc

        return acc

    jax.lax.fori_loop(0, _ROWS_PER_W, per_row, jnp.zeros((16,), jnp.float32))
    pltpu.sync_copy(vstage, out_hbm.at[pl.ds(wid * _ROWS_PER_W, _ROWS_PER_W)])


def _tcb_body(zi_all, zj_all, ci_blk, ci_all, thr_blk, out_ref, zih, zjh):
    step = pl.program_id(0)
    f32 = jnp.float32
    dot = lambda p, q: jax.lax.dot_general(
        p, q, (((1,), (1,)), ((), ())), preferred_element_type=f32)

    @pl.when(step == 0)
    def _():
        Zi = zi_all[...]
        Zj = zj_all[...]
        inv_i = jax.lax.rsqrt(jnp.maximum(jnp.sum(Zi * Zi, 1, keepdims=True), 1e-12))
        inv_j = jax.lax.rsqrt(jnp.maximum(jnp.sum(Zj * Zj, 1, keepdims=True), 1e-12))
        zih[...] = Zi * inv_i
        zjh[...] = Zj * inv_j

    Zih = zih[...]
    Zjh = zjh[...]
    a = zih[pl.ds(step * _BLK, _BLK), :]
    b = zjh[pl.ds(step * _BLK, _BLK), :]
    ac = ci_blk[...]
    Ci = ci_all[...]

    sx = dot(a, Zih)
    sa = dot(b, Zjh)
    sci = dot(a, Zjh)
    scj = dot(b, Zih)

    ones_c = jnp.ones((1, _B), dtype=f32)

    lo = thr_blk[...] - 1e-4
    hi = lo + (_BINW + 2e-4)
    for _ in range(_REFINE_ITERS):
        mid = (lo + hi) * 0.5
        cnt = dot(jnp.where(sx >= mid, 1.0, 0.0), ones_c)
        take = cnt >= _TOPK1
        lo, hi = jnp.where(take, mid, lo), jnp.where(take, hi, mid)
    sel = jnp.where(sx >= lo, 1.0, 0.0)

    rows = step * _BLK + jax.lax.broadcasted_iota(jnp.int32, (_BLK, _B), 0)
    cols = jax.lax.broadcasted_iota(jnp.int32, (_BLK, _B), 1)
    mm = dot(ac, Ci)
    m = jnp.where(cols == rows, 1.0, jnp.where(mm > _THRESH, 1.0, 0.0))
    ms = m * sel

    dsx = jnp.sum(a * a, axis=1, keepdims=True)
    dsa = jnp.sum(b * b, axis=1, keepdims=True)

    ex = jnp.exp(_INV_T * sx)
    eci = jnp.exp(_INV_T * sci)
    ea = jnp.exp(_INV_T * sa)
    ecj = jnp.exp(_INV_T * scj)

    S1 = dot(sel * (ex + eci), ones_c) - jnp.exp(_INV_T * dsx)
    S2 = dot(sel * (ea + ecj), ones_c) - jnp.exp(_INV_T * dsa)
    A1 = _INV_T * (dot(ms * (sx + sci), ones_c) - dsx)
    A2 = _INV_T * (dot(ms * (sa + scj), ones_c) - dsa)
    denom = 2.0 * dot(ms, ones_c) - 1.0

    row_loss = (A1 + A2) / denom - jnp.log(S1) - jnp.log(S2)
    s = jnp.sum(row_loss)

    @pl.when(step == 0)
    def _():
        out_ref[...] = jnp.zeros((8, 128), dtype=f32)

    sub = jax.lax.broadcasted_iota(jnp.int32, (8, 128), 0)
    lne = jax.lax.broadcasted_iota(jnp.int32, (8, 128), 1)
    onehot = jnp.where((sub == 0) & (lne == 0), 1.0, 0.0)
    out_ref[...] += s * onehot


def kernel(z_i, z_j, c_i, c_j):
    f32 = jnp.float32
    keys = pl.pallas_call(
        _tca_body,
        grid=(_NBLK,),
        in_specs=[pl.BlockSpec((_B, _D), lambda i: (0, 0))],
        out_specs=pl.BlockSpec((_BLK, _B), lambda i: (i, 0)),
        out_shape=jax.ShapeDtypeStruct((_B, _B), jnp.int32),
        scratch_shapes=[pltpu.VMEM((_B, _D), f32)],
    )(z_i)

    sck = pl.kernel(
        _sc_body,
        out_type=jax.ShapeDtypeStruct((_B,), f32),
        mesh=plsc.VectorSubcoreMesh(core_axis_name="c", subcore_axis_name="s"),
        compiler_params=pltpu.CompilerParams(needs_layout_passes=False),
        scratch_types=[
            pltpu.VMEM((_B,), jnp.int32),
            pltpu.VMEM((_B,), jnp.int32),
            pltpu.VMEM((_ROWS_PER_W,), f32),
        ],
    )
    thr = sck(keys).reshape(_B, 1)

    ci_pad = jnp.pad(c_i, ((0, 0), (0, _D - c_i.shape[1])))
    out = pl.pallas_call(
        _tcb_body,
        grid=(_NBLK,),
        in_specs=[
            pl.BlockSpec((_B, _D), lambda i: (0, 0)),
            pl.BlockSpec((_B, _D), lambda i: (0, 0)),
            pl.BlockSpec((_BLK, _D), lambda i: (i, 0)),
            pl.BlockSpec((_B, _D), lambda i: (0, 0)),
            pl.BlockSpec((_BLK, 1), lambda i: (i, 0)),
        ],
        out_specs=pl.BlockSpec((8, 128), lambda i: (0, 0)),
        out_shape=jax.ShapeDtypeStruct((8, 128), f32),
        scratch_shapes=[
            pltpu.VMEM((_B, _D), f32),
            pltpu.VMEM((_B, _D), f32),
        ],
    )(z_i, z_j, ci_pad, ci_pad, thr)
    return -out[0, 0] / _B

# --- scband reference (transcript-rebuilt; emitter-appended) ---
"""Pipeline reference for scband-self-knnloss-78331613544659 (READ-ONLY COPY).

The authoritative reference and input builder live on the scoring server;
editing this copy changes nothing except your own understanding.
"""

import jax, jax.numpy as jnp
import numpy as np

TEMPERATURE = 0.5
TOPK = 32
THRESHOLD = 0.5


def setup_inputs(seed: int = 0) -> dict:
    key = jax.random.key(seed)
    k1, k2, k3, k4 = jax.random.split(key, 4)
    B, D, C = 4096, 128, 10
    z_i = jax.random.normal(k1, (B, D), dtype=jnp.float32)
    z_j = jax.random.normal(k2, (B, D), dtype=jnp.float32)
    c_i = jax.random.uniform(k3, (B, C), dtype=jnp.float32)
    c_j = jax.random.uniform(k4, (B, C), dtype=jnp.float32)
    return {"z_i": z_i, "z_j": z_j, "c_i": c_i, "c_j": c_j}


def reference(z_i, z_j, c_i, c_j):
    B = z_i.shape[0]
    eps = 1e-8
    diag = jnp.arange(B)
    # mask from cluster assignments
    mask = jnp.matmul(c_i, c_i.T)
    mask = jnp.where(mask > THRESHOLD, 1.0, 0.0)
    mask = mask.at[diag, diag].set(1.0)
    # pairwise cosine similarities
    n = jnp.linalg.norm(z_i, axis=1, keepdims=True)
    n_adv = jnp.linalg.norm(z_j, axis=1, keepdims=True)
    x = jnp.matmul(z_i, z_i.T) / jnp.maximum(n * n.T, eps)
    x_adv = jnp.matmul(z_j, z_j.T) / jnp.maximum(n_adv * n_adv.T, eps)
    x_c_i = jnp.matmul(z_i, z_j.T) / jnp.maximum(n * n_adv.T, eps)
    x_c_j = x_c_i.T
    x = jnp.exp(x / TEMPERATURE)
    x_adv = jnp.exp(x_adv / TEMPERATURE)
    x_c_i = jnp.exp(x_c_i / TEMPERATURE)
    x_c_j = jnp.exp(x_c_j / TEMPERATURE)
    # top-(K+1) neighbor mask; diagonal (self-sim = exp(1/T)) is always included
    _, top_x = jax.lax.top_k(x, TOPK + 1)
    index = jnp.zeros((B, B), dtype=jnp.float32)
    index = index.at[diag[:, None], top_x].set(1.0)
    index = index.at[diag, diag].set(0.0)  # exactly TOPK ones per row
    index_x_c = index.at[diag, diag].set(1.0)  # exactly TOPK+1 ones per row
    # emulate torch boolean-mask + reshape: per-row selected columns in ascending order
    cols = jnp.argsort(1.0 - index, axis=1)[:, :TOPK]
    cols_c = jnp.argsort(1.0 - index_x_c, axis=1)[:, :TOPK + 1]
    gather = lambda M, C: jnp.take_along_axis(M, C, axis=1)
    x_s = gather(x, cols)
    x_adv_s = gather(x_adv, cols)
    x_ci_s = gather(x_c_i, cols_c)
    x_cj_s = gather(x_c_j, cols_c)
    mask_x = gather(mask, cols)
    mask_x_reverse = 1.0 - mask_x
    mask_x_adv = mask_x
    mask_x_adv_reverse = 1.0 - mask_x_adv
    mask_x_c_i = gather(mask, cols_c)
    mask_x_c_i_reverse = 1.0 - mask_x_c_i
    mask_x_c_j = mask_x_c_i
    mask_x_c_j_reverse = 1.0 - mask_x_c_j
    x1 = jnp.concatenate((x_s, x_ci_s), axis=1)
    x2 = jnp.concatenate((x_adv_s, x_cj_s), axis=1)
    mask_1 = jnp.concatenate((mask_x, mask_x_c_i), axis=1)
    mask_2 = jnp.concatenate((mask_x_adv, mask_x_c_j), axis=1)
    mask_x1_reverse = jnp.concatenate((mask_x_reverse, mask_x_c_i_reverse), axis=1)
    mask_x2_reverse = jnp.concatenate((mask_x_adv_reverse, mask_x_c_j_reverse), axis=1)
    dis_x1 = x1 * mask_1 / jnp.sum(x1, axis=1, keepdims=True) + mask_x1_reverse
    dis_x2 = x2 * mask_2 / jnp.sum(x2, axis=1, keepdims=True) + mask_x2_reverse
    loss = (jnp.log(dis_x1).sum(1) + jnp.log(dis_x2).sum(1)) / (mask_x.sum(1) * 2 + 1)
    return -jnp.mean(loss)

if __name__ == "__main__":
    import jax
    _d = setup_inputs()
    print(jax.jit(kernel)(*tuple(_d.values())))

</pallas_src>

<mosaic_0001>
#map = affine_map<(d0, d1) -> (0, 0)>
#map1 = affine_map<(d0, d1) -> (0)>
module attributes {stable_mosaic.version = 14 : i64} {
  func.func @_sc_body(%arg0: i32, %arg1: i32, %arg2: memref<4096x4096xi32, #tpu.memory_space<hbm>>, %arg3: memref<4096xf32, #tpu.memory_space<hbm>>, %arg4: memref<4096xi32, #tpu.memory_space<vmem>>, %arg5: memref<4096xi32, #tpu.memory_space<vmem>>, %arg6: memref<128xf32, #tpu.memory_space<vmem>>) attributes {dimension_semantics = [#tpu.dimension_semantics<core_parallel>, #tpu.dimension_semantics<subcore_parallel>], iteration_bounds = array<i64: 2, 16>, scalar_prefetch = 0 : i64, scratch_operands = 3 : i64, tpu.core_type = #tpu.core_type<sc_vector_subcore>, window_params = [{transform_indices = #map}, {transform_indices = #map1}]} {
    %mul3A = arith.constant 2 : i32
    %mul3A_0 = arith.muli %arg1, %mul3A : i32
    %add3A = arith.addi %mul3A_0, %arg0 : i32
    %iota3A = tpu.iota {dimensions = array<i32: 0>} : vector<16xi32>
    %mul3A_1 = arith.constant 256 : i32
    %mul3A_2 = vector.broadcast %mul3A_1 : i32 to vector<16xi32>
    %mul3A_3 = arith.muli %iota3A, %mul3A_2 : vector<16xi32>
    %broadcast_in_dim3A = arith.constant 0.000000e+00 : f32
    %broadcast_in_dim3A_4 = vector.broadcast %broadcast_in_dim3A : f32 to vector<16xf32>
    %scan3A = arith.constant 0 : i32
    %scan3A_5 = arith.constant 128 : i32
    %scan3A_6 = arith.addi %scan3A, %scan3A_5 : i32
    %scan3A_7 = arith.constant 1 : i32
    %scan3A_8 = scf.for %scan3A_12 = %scan3A to %scan3A_6 step %scan3A_7 iter_args(%scan3A_13 = %broadcast_in_dim3A_4) -> (vector<16xf32>)  : i32 {
      %mul3A_14 = arith.constant 128 : i32
      %mul3A_15 = arith.muli %add3A, %mul3A_14 : i32
      %add3A_16 = arith.addi %mul3A_15, %scan3A_12 : i32
      "tpu.region"() ({
        %run_scoped3A = tpu.sem_alloc : memref<!tpu.dma_semaphore, #tpu.memory_space<semaphore_mem>>
        %dma_start3A = arith.constant 0 : i32
        %dma_start3A_1157 = tpu.memref_slice %arg2[%add3A_16, %dma_start3A] : memref<4096x4096xi32, #tpu.memory_space<hbm>> -> memref<1x4096xi32, #tpu.memory_space<hbm>>
        %dma_start3A_1158 = tpu.memref_squeeze %dma_start3A_1157 : memref<1x4096xi32, #tpu.memory_space<hbm>> -> memref<4096xi32, #tpu.memory_space<hbm>>
        %dma_start3A_1159 = arith.constant 0 : i32
        %dma_start3A_1160 = tpu.memref_slice %arg2[%add3A_16, %dma_start3A_1159] : memref<4096x4096xi32, #tpu.memory_space<hbm>> -> memref<1x4096xi32, #tpu.memory_space<hbm>>
        %dma_start3A_1161 = tpu.memref_squeeze %dma_start3A_1160 : memref<1x4096xi32, #tpu.memory_space<hbm>> -> memref<4096xi32, #tpu.memory_space<hbm>>
        tpu.enqueue_dma source(%dma_start3A_1161 : memref<4096xi32, #tpu.memory_space<hbm>>) target(%arg4 : memref<4096xi32, #tpu.memory_space<vmem>>) target_semaphore(%run_scoped3A : memref<!tpu.dma_semaphore, #tpu.memory_space<semaphore_mem>>)
        %dma_wait3A = arith.constant 0 : i32
        %dma_wait3A_1162 = tpu.memref_slice %arg2[%add3A_16, %dma_wait3A] : memref<4096x4096xi32, #tpu.memory_space<hbm>> -> memref<1x4096xi32, #tpu.memory_space<hbm>>
        %dma_wait3A_1163 = tpu.memref_squeeze %dma_wait3A_1162 : memref<1x4096xi32, #tpu.memory_space<hbm>> -> memref<4096xi32, #tpu.memory_space<hbm>>
        %dma_wait3A_1164 = arith.constant 0 : i32
        %dma_wait3A_1165 = tpu.memref_slice %arg2[%add3A_16, %dma_wait3A_1164] : memref<4096x4096xi32, #tpu.memory_space<hbm>> -> memref<1x4096xi32, #tpu.memory_space<hbm>>
        %dma_wait3A_1166 = tpu.memref_squeeze %dma_wait3A_1165 : memref<1x4096xi32, #tpu.memory_space<hbm>> -> memref<4096xi32, #tpu.memory_space<hbm>>
        tpu.wait_dma2 semaphore(%run_scoped3A : memref<!tpu.dma_semaphore, #tpu.memory_space<semaphore_mem>>) src(%dma_wait3A_1166 : memref<4096xi32, #tpu.memory_space<hbm>>) dst(%arg4 : memref<4096xi32, #tpu.memory_space<vmem>>)
        tpu.yield
      }) : () -> ()
      %scan3A_17 = arith.constant 0 : i32
      %scan3A_18 = arith.constant 0 : i32
      %scan3A_19 = arith.constant 256 : i32
      %scan3A_20 = arith.addi %scan3A_18, %scan3A_19 : i32
      %scan3A_21 = arith.constant 1 : i32
      %scan3A_22 = scf.for %scan3A_1157 = %scan3A_18 to %scan3A_20 step %scan3A_21 iter_args(%scan3A_1158 = %scan3A_17) -> (i32)  : i32 {
        %broadcast_in_dim3A_1159 = arith.constant 0 : i32
        %broadcast_in_dim3A_1160 = vector.broadcast %broadcast_in_dim3A_1159 : i32 to vector<16xi32>
        %mul3A_1161 = arith.constant 16 : i32
        %mul3A_1162 = arith.muli %scan3A_1157, %mul3A_1161 : i32
        %swap3A = arith.index_cast %mul3A_1162 : i32 to index
        %swap3A_1163 = tpu.vector_load %arg5[%swap3A] {strides = array<i32>} : memref<4096xi32, #tpu.memory_space<vmem>>, vector<16xi32>,
        tpu.vector_store %arg5[%swap3A], %broadcast_in_dim3A_1160 {strides = array<i32>} : memref<4096xi32, #tpu.memory_space<vmem>>, vector<16xi32>,
        %scan3A_1164 = arith.constant 0 : i32
        scf.yield %scan3A_1164 : i32
      }
      %scan3A_23 = arith.constant 256 : i32
      %scan3A_24 = arith.constant 0 : i32
      %scan3A_25 = arith.constant 0 : i32
      %scan3A_26 = arith.constant 256 : i32
      %scan3A_27 = arith.addi %scan3A_25, %scan3A_26 : i32
      %scan3A_28 = arith.constant 1 : i32
      %scan3A_29 = scf.for %scan3A_1157 = %scan3A_25 to %scan3A_27 step %scan3A_28 iter_args(%scan3A_1158 = %scan3A_24) -> (i32)  : i32 {
        %mul3A_1159 = arith.constant 16 : i32
        %mul3A_1160 = arith.muli %scan3A_1157, %mul3A_1159 : i32
        %get3A_1161 = arith.index_cast %mul3A_1160 : i32 to index
        %get3A_1162 = tpu.vector_load %arg4[%get3A_1161] {strides = array<i32>} : memref<4096xi32, #tpu.memory_space<vmem>>, vector<16xi32>,
        %shift_right_logical3A = arith.constant 7 : i32
        %shift_right_logical3A_1163 = vector.broadcast %shift_right_logical3A : i32 to vector<16xi32>
        %shift_right_logical3A_1164 = arith.shrui %get3A_1162, %shift_right_logical3A_1163 : vector<16xi32>
        %add3A_1165 = arith.addi %mul3A_3, %shift_right_logical3A_1164 : vector<16xi32>
        %broadcast_in_dim3A_1166 = arith.constant 1 : i32
        %broadcast_in_dim3A_1167 = vector.broadcast %broadcast_in_dim3A_1166 : i32 to vector<16xi32>
        tpu.vector_store_idx %arg5[%add3A_1165], %broadcast_in_dim3A_1167 {add = true} : memref<4096xi32, #tpu.memory_space<vmem>>[vector<16xi32>], vector<16xi32>,
        %scan3A_1168 = arith.constant 0 : i32
        scf.yield %scan3A_1168 : i32
      }
      %scan3A_30 = arith.constant 256 : i32
      %get3A = arith.constant 0 : index
      %get3A_31 = tpu.vector_load %arg5[%get3A] {strides = array<i32>} : memref<4096xi32, #tpu.memory_space<vmem>>, vector<16xi32>,
      %get3A_32 = arith.constant 256 : index
      %get3A_33 = tpu.vector_load %arg5[%get3A_32] {strides = array<i32>} : memref<4096xi32, #tpu.memory_space<vmem>>, vector<16xi32>,
      %add3A_34 = arith.addi %get3A_31, %get3A_33 : vector<16xi32>
      %get3A_35 = arith.constant 512 : index
      %get3A_36 = tpu.vector_load %arg5[%get3A_35] {strides = array<i32>} : memref<4096xi32, #tpu.memory_space<vmem>>, vector<16xi32>,
      %add3A_37 = arith.addi %add3A_34, %get3A_36 : vector<16xi32>
      %get3A_38 = arith.constant 768 : index
      %get3A_39 = tpu.vector_load %arg5[%get3A_38] {strides = array<i32>} : memref<4096xi32, #tpu.memory_space<vmem>>, vector<16xi32>,
      %add3A_40 = arith.addi %add3A_37, %get3A_39 : vector<16xi32>
      %get3A_41 = arith.constant 1024 : index
      %get3A_42 = tpu.vector_load %arg5[%get3A_41] {strides = array<i32>} : memref<4096xi32, #tpu.memory_space<vmem>>, vector<16xi32>,
      %add3A_43 = arith.addi %add3A_40, %get3A_42 : vector<16xi32>
      %get3A_44 = arith.constant 1280 : index
      %get3A_45 = tpu.vector_load %arg5[%get3A_44] {strides = array<i32>} : memref<4096xi32, #tpu.memory_space<vmem>>, vector<16xi32>,
      %add3A_46 = arith.addi %add3A_43, %get3A_45 : vector<16xi32>
      %get3A_47 = arith.constant 1536 : index
      %get3A_48 = tpu.vector_load %arg5[%get3A_47] {strides = array<i32>} : memref<4096xi32, #tpu.memory_space<vmem>>, vector<16xi32>,
      %add3A_49 = arith.addi %add3A_46, %get3A_48 : vector<16xi32>
      %get3A_50 = arith.constant 1792 : index
      %get3A_51 = tpu.vector_load %arg5[%get3A_50] {strides = array<i32>} : memref<4096xi32, #tpu.memory_space<vmem>>, vector<16xi32>,
      %add3A_52 = arith.addi %add3A_49, %get3A_51 : vector<16xi32>
      %get3A_53 = arith.constant 2048 : index
      %get3A_54 = tpu.vector_load %arg5[%get3A_53] {strides = array<i32>} : memref<4096xi32, #tpu.memory_space<vmem>>, vector<16xi32>,
      %add3A_55 = arith.addi %add3A_52, %get3A_54 : vector<16xi32>
      %get3A_56 = arith.constant 2304 : index
      %get3A_57 = tpu.vector_load %arg5[%get3A_56] {strides = array<i32>} : memref<4096xi32, #tpu.memory_space<vmem>>, vector<16xi32>,
      %add3A_58 = arith.addi %add3A_55, %get3A_57 : vector<16xi32>
      %get3A_59 = arith.constant 2560 : index
      %get3A_60 = tpu.vector_load %arg5[%get3A_59] {strides = array<i32>} : memref<4096xi32, #tpu.memory_space<vmem>>, vector<16xi32>,
      %add3A_61 = arith.addi %add3A_58, %get3A_60 : vector<16xi32>
      %get3A_62 = arith.constant 2816 : index
      %get3A_63 = tpu.vector_load %arg5[%get3A_62] {strides = array<i32>} : memref<4096xi32, #tpu.memory_space<vmem>>, vector<16xi32>,
      %add3A_64 = arith.addi %add3A_61, %get3A_63 : vector<16xi32>
      %get3A_65 = arith.constant 3072 : index
      %get3A_66 = tpu.vector_load %arg5[%get3A_65] {strides = array<i32>} : memref<4096xi32, #tpu.memory_space<vmem>>, vector<16xi32>,
      %add3A_67 = arith.addi %add3A_64, %get3A_66 : vector<16xi32>
      %get3A_68 = arith.constant 3328 : index
      %get3A_69 = tpu.vector_load %arg5[%get3A_68] {strides = array<i32>} : memref<4096xi32, #tpu.memory_space<vmem>>, vector<16xi32>,
      %add3A_70 = arith.addi %add3A_67, %get3A_69 : vector<16xi32>
      %get3A_71 = arith.constant 3584 : index
      %get3A_72 = tpu.vector_load %arg5[%get3A_71] {strides = array<i32>} : memref<4096xi32, #tpu.memory_space<vmem>>, vector<16xi32>,
      %add3A_73 = arith.addi %add3A_70, %get3A_72 : vector<16xi32>
      %get3A_74 = arith.constant 3840 : index
      %get3A_75 = tpu.vector_load %arg5[%get3A_74] {strides = array<i32>} : memref<4096xi32, #tpu.memory_space<vmem>>, vector<16xi32>,
      %add3A_76 = arith.addi %add3A_73, %get3A_75 : vector<16xi32>
      %get3A_77 = arith.constant 16 : index
      %get3A_78 = tpu.vector_load %arg5[%get3A_77] {strides = array<i32>} : memref<4096xi32, #tpu.memory_space<vmem>>, vector<16xi32>,
      %get3A_79 = arith.constant 272 : index
      %get3A_80 = tpu.vector_load %arg5[%get3A_79] {strides = array<i32>} : memref<4096xi32, #tpu.memory_space<vmem>>, vector<16xi32>,
      %add3A_81 = arith.addi %get3A_78, %get3A_80 : vector<16xi32>
      %get3A_82 = arith.constant 528 : index
      %get3A_83 = tpu.vector_load %arg5[%get3A_82] {strides = array<i32>} : memref<4096xi32, #tpu.memory_space<vmem>>, vector<16xi32>,
      %add3A_84 = arith.addi %add3A_81, %get3A_83 : vector<16xi32>
      %get3A_85 = arith.constant 784 : index
      %get3A_86 = tpu.vector_load %arg5[%get3A_85] {strides = array<i32>} : memref<4096xi32, #tpu.memory_space<vmem>>, vector<16xi32>,
      %add3A_87 = arith.addi %add3A_84, %get3A_86 : vector<16xi32>
      %get3A_88 = arith.constant 1040 : index
      %get3A_89 = tpu.vector_load %arg5[%get3A_88] {strides = array<i32>} : memref<4096xi32, #tpu.memory_space<vmem>>, vector<16xi32>,
      %add3A_90 = arith.addi %add3A_87, %get3A_89 : vector<16xi32>
      %get3A_91 = arith.constant 1296 : index
      %get3A_92 = tpu.vector_load %arg5[%get3A_91] {strides = array<i32>} : memref<4096xi32, #tpu.memory_space<vmem>>, vector<16xi32>,
      %add3A_93 = arith.addi %add3A_90, %get3A_92 : vector<16xi32>
      %get3A_94 = arith.constant 1552 : index
      %get3A_95 = tpu.vector_load %arg5[%get3A_94] {strides = array<i32>} : memref<4096xi32, #tpu.memory_space<vmem>>, vector<16xi32>,
      %add3A_96 = arith.addi %add3A_93, %get3A_95 : vector<16xi32>
      %get3A_97 = arith.constant 1808 : index
      %get3A_98 = tpu.vector_load %arg5[%get3A_97] {strides = array<i32>} : memref<4096xi32, #tpu.memory_space<vmem>>, vector<16xi32>,
      %add3A_99 = arith.addi %add3A_96, %get3A_98 : vector<16xi32>
      %get3A_100 = arith.constant 2064 : index
      %get3A_101 = tpu.vector_load %arg5[%get3A_100] {strides = array<i32>} : memref<4096xi32, #tpu.memory_space<vmem>>, vector<16xi32>,
      %add3A_102 = arith.addi %add3A_99, %get3A_101 : vector<16xi32>
      %get3A_103 = arith.constant 2320 : index
      %get3A_104 = tpu.vector_load %arg5[%get3A_103] {strides = array<i32>} : memref<4096xi32, #tpu.memory_space<vmem>>, vector<16xi32>,
      %add3A_105 = arith.addi %add3A_102, %get3A_104 : vector<16xi32>
      %get3A_106 = arith.constant 2576 : index
      %get3A_107 = tpu.vector_load %arg5[%get3A_106] {strides = array<i32>} : memref<4096xi32, #tpu.memory_space<vmem>>, vector<16xi32>,
      %add3A_108 = arith.addi %add3A_105, %get3A_107 : vector<16xi32>
      %get3A_109 = arith.constant 2832 : index
      %get3A_110 = tpu.vector_load %arg5[%get3A_109] {strides = array<i32>} : memref<4096xi32, #tpu.memory_space<vmem>>, vector<16xi32>,
      %add3A_111 = arith.addi %add3A_108, %get3A_110 : vector<16xi32>
      %get3A_112 = arith.constant 3088 : index
      %get3A_113 = tpu.vector_load %arg5[%get3A_112] {strides = array<i32>} : memref<4096xi32, #tpu.memory_space<vmem>>, vector<16xi32>,
      %add3A_114 = arith.addi %add3A_111, %get3A_113 : vector<16xi32>
      %get3A_115 = arith.constant 3344 : index
      %get3A_116 = tpu.vector_load %arg5[%get3A_115] {strides = array<i32>} : memref<4096xi32, #tpu.memory_space<vmem>>, vector<16xi32>,
      %add3A_117 = arith.addi %add3A_114, %get3A_116 : vector<16xi32>
      %get3A_118 = arith.constant 3600 : index
      %get3A_119 = tpu.vector_load %arg5[%get3A_118] {strides = array<i32>} : memref<4096xi32, #tpu.memory_space<vmem>>, vector<16xi32>,
      %add3A_120 = arith.addi %add3A_117, %get3A_119 : vector<16xi32>
      %get3A_121 = arith.constant 3856 : index
      %get3A_122 = tpu.vector_load %arg5[%get3A_121] {strides = array<i32>} : memref<4096xi32, #tpu.memory_space<vmem>>, vector<16xi32>,
      %add3A_123 = arith.addi %add3A_120, %get3A_122 : vector<16xi32>
      %get3A_124 = arith.constant 32 : index
      %get3A_125 = tpu.vector_load %arg5[%get3A_124] {strides = array<i32>} : memref<4096xi32, #tpu.memory_space<vmem>>, vector<16xi32>,
      %get3A_126 = arith.constant 288 : index
      %get3A_127 = tpu.vector_load %arg5[%get3A_126] {strides = array<i32>} : memref<4096xi32, #tpu.memory_space<vmem>>, vector<16xi32>,
      %add3A_128 = arith.addi %get3A_125, %get3A_127 : vector<16xi32>
      %get3A_129 = arith.constant 544 : index
      %get3A_130 = tpu.vector_load %arg5[%get3A_129] {strides = array<i32>} : memref<4096xi32, #tpu.memory_space<vmem>>, vector<16xi32>,
      %add3A_131 = arith.addi %add3A_128, %get3A_130 : vector<16xi32>
      %get3A_132 = arith.constant 800 : index
      %get3A_133 = tpu.vector_load %arg5[%get3A_132] {strides = array<i32>} : memref<4096xi32, #tpu.memory_space<vmem>>, vector<16xi32>,
      %add3A_134 = arith.addi %add3A_131, %get3A_133 : vector<16xi32>
      %get3A_135 = arith.constant 1056 : index
      %get3A_136 = tpu.vector_load %arg5[%get3A_135] {strides = array<i32>} : memref<4096xi32, #tpu.memory_space<vmem>>, vector<16xi32>,
      %add3A_137 = arith.addi %add3A_134, %get3A_136 : vector<16xi32>
      %get3A_138 = arith.constant 1312 : index
      %get3A_139 = tpu.vector_load %arg5[%get3A_138] {strides = array<i32>} : memref<4096xi32, #tpu.memory_space<vmem>>, vector<16xi32>,
      %add3A_140 = arith.addi %add3A_137, %get3A_139 : vector<16xi32>
      %get3A_141 = arith.constant 1568 : index
      %get3A_142 = tpu.vector_load %arg5[%get3A_141] {strides = array<i32>} : memref<4096xi32, #tpu.memory_space<vmem>>, vector<16xi32>,
      %add3A_143 = arith.addi %add3A_140, %get3A_142 : vector<16xi32>
      %get3A_144 = arith.constant 1824 : index
      %get3A_145 = tpu.vector_load %arg5[%get3A_144] {strides = array<i32>} : memref<4096xi32, #tpu.memory_space<vmem>>, vector<16xi32>,
      %add3A_146 = arith.addi %add3A_143, %get3A_145 : vector<16xi32>
      %get3A_147 = arith.constant 2080 : index
      %get3A_148 = tpu.vector_load %arg5[%get3A_147] {strides = array<i32>} : memref<4096xi32, #tpu.memory_space<vmem>>, vector<16xi32>,
      %add3A_149 = arith.addi %add3A_146, %get3A_148 : vector<16xi32>
      %get3A_150 = arith.constant 2336 : index
      %get3A_151 = tpu.vector_load %arg5[%get3A_150] {strides = array<i32>} : memref<4096xi32, #tpu.memory_space<vmem>>, vector<16xi32>,
      %add3A_152 = arith.addi %add3A_149, %get3A_151 : vector<16xi32>
      %get3A_153 = arith.constant 2592 : index
      %get3A_154 = tpu.vector_load %arg5[%get3A_153] {strides = array<i32>} : memref<4096xi32, #tpu.memory_space<vmem>>, vector<16xi32>,
      %add3A_155 = arith.addi %add3A_152, %get3A_154 : vector<16xi32>
      %get3A_156 = arith.constant 2848 : index
      %get3A_157 = tpu.vector_load %arg5[%get3A_156] {strides = array<i32>} : memref<4096xi32, #tpu.memory_space<vmem>>, vector<16xi32>,
      %add3A_158 = arith.addi %add3A_155, %get3A_157 : vector<16xi32>
      %get3A_159 = arith.constant 3104 : index
      %get3A_160 = tpu.vector_load %arg5[%get3A_159] {strides = array<i32>} : memref<4096xi32, #tpu.memory_space<vmem>>, vector<16xi32>,
      %add3A_161 = arith.addi %add3A_158, %get3A_160 : vector<16xi32>
      %get3A_162 = arith.constant 3360 : index
      %get3A_163 = tpu.vector_load %arg5[%get3A_162] {strides = array<i32>} : memref<4096xi32, #tpu.memory_space<vmem>>, vector<16xi32>,
      %add3A_164 = arith.addi %add3A_161, %get3A_163 : vector<16xi32>
      %get3A_165 = arith.constant 3616 : index
      %get3A_166 = tpu.vector_load %arg5[%get3A_165] {strides = array<i32>} : memref<4096xi32, #tpu.memory_space<vmem>>, vector<16xi32>,
      %add3A_167 = arith.addi %add3A_164, %get3A_166 : vector<16xi32>
      %get3A_168 = arith.constant 3872 : index
      %get3A_169 = tpu.vector_load %arg5[%get3A_168] {strides = array<i32>} : memref<4096xi32, #tpu.memory_space<vmem>>, vector<16xi32>,
      %add3A_170 = arith.addi %add3A_167, %get3A_169 : vector<16xi32>
      %get3A_171 = arith.constant 48 : index
      %get3A_172 = tpu.vector_load %arg5[%get3A_171] {strides = array<i32>} : memref<4096xi32, #tpu.memory_space<vmem>>, vector<16xi32>,
      %get3A_173 = arith.constant 304 : index
      %get3A_174 = tpu.vector_load %arg5[%get3A_173] {strides = array<i32>} : memref<4096xi32, #tpu.memory_space<vmem>>, vector<16xi32>,
      %add3A_175 = arith.addi %get3A_172, %get3A_174 : vector<16xi32>
      %get3A_176 = arith.constant 560 : index
      %get3A_177 = tpu.vector_load %arg5[%get3A_176] {strides = array<i32>} : memref<4096xi32, #tpu.memory_space<vmem>>, vector<16xi32>,
      %add3A_178 = arith.addi %add3A_175, %get3A_177 : vector<16xi32>
      %get3A_179 = arith.constant 816 : index
      %get3A_180 = tpu.vector_load %arg5[%get3A_179] {strides = array<i32>} : memref<4096xi32, #tpu.memory_space<vmem>>, vector<16xi32>,
      %add3A_181 = arith.addi %add3A_178, %get3A_180 : vector<16xi32>
      %get3A_182 = arith.constant 1072 : index
      %get3A_183 = tpu.vector_load %arg5[%get3A_182] {strides = array<i32>} : memref<4096xi32, #tpu.memory_space<vmem>>, vector<16xi32>,
      %add3A_184 = arith.addi %add3A_181, %get3A_183 : vector<16xi32>
      %get3A_185 = arith.constant 1328 : index
      %get3A_186 = tpu.vector_load %arg5[%get3A_185] {strides = array<i32>} : memref<4096xi32, #tpu.memory_space<vmem>>, vector<16xi32>,
      %add3A_187 = arith.addi %add3A_184, %get3A_186 : vector<16xi32>
      %get3A_188 = arith.constant 1584 : index
      %get3A_189 = tpu.vector_load %arg5[%get3A_188] {strides = array<i32>} : memref<4096xi32, #tpu.memory_space<vmem>>, vector<16xi32>,
      %add3A_190 = arith.addi %add3A_187, %get3A_189 : vector<16xi32>
      %get3A_191 = arith.constant 1840 : index
      %get3A_192 = tpu.vector_load %arg5[%get3A_191] {strides = array<i32>} : memref<4096xi32, #tpu.memory_space<vmem>>, vector<16xi32>,
      %add3A_193 = arith.addi %add3A_190, %get3A_192 : vector<16xi32>
      %get3A_194 = arith.constant 2096 : index
      %get3A_195 = tpu.vector_load %arg5[%get3A_194] {strides = array<i32>} : memref<4096xi32, #tpu.memory_space<vmem>>, vector<16xi32>,
      %add3A_196 = arith.addi %add3A_193, %get3A_195 : vector<16xi32>
      %get3A_197 = arith.constant 2352 : index
      %get3A_198 = tpu.vector_load %arg5[%get3A_197] {strides = array<i32>} : memref<4096xi32, #tpu.memory_space<vmem>>, vector<16xi32>,
      %add3A_199 = arith.addi %add3A_196, %get3A_198 : vector<16xi32>
      %get3A_200 = arith.constant 2608 : index
      %get3A_201 = tpu.vector_load %arg5[%get3A_200] {strides = array<i32>} : memref<4096xi32, #tpu.memory_space<vmem>>, vector<16xi32>,
      %add3A_202 = arith.addi %add3A_199, %get3A_201 : vector<16xi32>
      %get3A_203 = arith.constant 2864 : index
      %get3A_204 = tpu.vector_load %arg5[%get3A_203] {strides = array<i32>} : memref<4096xi32, #tpu.memory_space<vmem>>, vector<16xi32>,
      %add3A_205 = arith.addi %add3A_202, %get3A_204 : vector<16xi32>
      %get3A_206 = arith.constant 3120 : index
      %get3A_207 = tpu.vector_load %arg5[%get3A_206] {strides = array<i32>} : memref<4096xi32, #tpu.memory_space<vmem>>, vector<16xi32>,
      %add3A_208 = arith.addi %add3A_205, %get3A_207 : vector<16xi32>
      %get3A_209 = arith.constant 3376 : index
      %get3A_210 = tpu.vector_load %arg5[%get3A_209] {strides = array<i32>} : memref<4096xi32, #tpu.memory_space<vmem>>, vector<16xi32>,
      %add3A_211 = arith.addi %add3A_208, %get3A_210 : vector<16xi32>
      %get3A_212 = arith.constant 3632 : index
      %get3A_213 = tpu.vector_load %arg5[%get3A_212] {strides = array<i32>} : memref<4096xi32, #tpu.memory_space<vmem>>, vector<16xi32>,
      %add3A_214 = arith.addi %add3A_211, %get3A_213 : vector<16xi32>
      %get3A_215 = arith.constant 3888 : index
      %get3A_216 = tpu.vector_load %arg5[%get3A_215] {strides = array<i32>} : memref<4096xi32, #tpu.memory_space<vmem>>, vector<16xi32>,
      %add3A_217 = arith.addi %add3A_214, %get3A_216 : vector<16xi32>
      %get3A_218 = arith.constant 64 : index
      %get3A_219 = tpu.vector_load %arg5[%get3A_218] {strides = array<i32>} : memref<4096xi32, #tpu.memory_space<vmem>>, vector<16xi32>,
      %get3A_220 = arith.constant 320 : index
      %get3A_221 = tpu.vector_load %arg5[%get3A_220] {strides = array<i32>} : memref<4096xi32, #tpu.memory_space<vmem>>, vector<16xi32>,
      %add3A_222 = arith.addi %get3A_219, %get3A_221 : vector<16xi32>
      %get3A_223 = arith.constant 576 : index
      %get3A_224 = tpu.vector_load %arg5[%get3A_223] {strides = array<i32>} : memref<4096xi32, #tpu.memory_space<vmem>>, vector<16xi32>,
      %add3A_225 = arith.addi %add3A_222, %get3A_224 : vector<16xi32>
      %get3A_226 = arith.constant 832 : index
      %get3A_227 = tpu.vector_load %arg5[%get3A_226] {strides = array<i32>} : memref<4096xi32, #tpu.memory_space<vmem>>, vector<16xi32>,
      %add3A_228 = arith.addi %add3A_225, %get3A_227 : vector<16xi32>
      %get3A_229 = arith.constant 1088 : index
      %get3A_230 = tpu.vector_load %arg5[%get3A_229] {strides = array<i32>} : memref<4096xi32, #tpu.memory_space<vmem>>, vector<16xi32>,
      %add3A_231 = arith.addi %add3A_228, %get3A_230 : vector<16xi32>
      %get3A_232 = arith.constant 1344 : index
      %get3A_233 = tpu.vector_load %arg5[%get3A_232] {strides = array<i32>} : memref<4096xi32, #tpu.memory_space<vmem>>, vector<16xi32>,
      %add3A_234 = arith.addi %add3A_231, %get3A_233 : vector<16xi32>
      %get3A_235 = arith.constant 1600 : index
      %get3A_236 = tpu.vector_load %arg5[%get3A_235] {strides = array<i32>} : memref<4096xi32, #tpu.memory_space<vmem>>, vector<16xi32>,
      %add3A_237 = arith.addi %add3A_234, %get3A_236 : vector<16xi32>
      %get3A_238 = arith.constant 1856 : index
      %get3A_239 = tpu.vector_load %arg5[%get3A_238] {strides = array<i32>} : memref<4096xi32, #tpu.memory_space<vmem>>, vector<16xi32>,
      %add3A_240 = arith.addi %add3A_237, %get3A_239 : vector<16xi32>
      %get3A_241 = arith.constant 2112 : index
      %get3A_242 = tpu.vector_load %arg5[%get3A_241] {strides = array<i32>} : memref<4096xi32, #tpu.memory_space<vmem>>, vector<16xi32>,
      %add3A_243 = arith.addi %add3A_240, %get3A_242 : vector<16xi32>
      %get3A_244 = arith.constant 2368 : index
      %get3A_245 = tpu.vector_load %arg5[%get3A_244] {strides = array<i32>} : memref<4096xi32, #tpu.memory_space<vmem>>, vector<16xi32>,
      %add3A_246 = arith.addi %add3A_243, %get3A_245 : vector<16xi32>
      %get3A_247 = arith.constant 2624 : index
      %get3A_248 = tpu.vector_load %arg5[%get3A_247] {strides = array<i32>} : memref<4096xi32, #tpu.memory_space<vmem>>, vector<16xi32>,
      %add3A_249 = arith.addi %add3A_246, %get3A_248 : vector<16xi32>
      %get3A_250 = arith.constant 2880 : index
      %get3A_251 = tpu.vector_load %arg5[%get3A_250] {strides = array<i32>} : memref<4096xi32, #tpu.memory_space<vmem>>, vector<16xi32>,
      %add3A_252 = arith.addi %add3A_249, %get3A_251 : vector<16xi32>
      %get3A_253 = arith.constant 3136 : index
      %get3A_254 = tpu.vector_load %arg5[%get3A_253] {strides = array<i32>} : memref<4096xi32, #tpu.memory_space<vmem>>, vector<16xi32>,
      %add3A_255 = arith.addi %add3A_252, %get3A_254 : vector<16xi32>
      %get3A_256 = arith.constant 3392 : index
      %get3A_257 = tpu.vector_load %arg5[%get3A_256] {strides = array<i32>} : memref<4096xi32, #tpu.memory_space<vmem>>, vector<16xi32>,
      %add3A_258 = arith.addi %add3A_255, %get3A_257 : vector<16xi32>
      %get3A_259 = arith.constant 3648 : index
      %get3A_260 = tpu.vector_load %arg5[%get3A_259] {strides = array<i32>} : memref<4096xi32, #tpu.memory_space<vmem>>, vector<16xi32>,
      %add3A_261 = arith.addi %add3A_258, %get3A_260 : vector<16xi32>
      %get3A_262 = arith.constant 3904 : index
      %get3A_263 = tpu.vector_load %arg5[%get3A_262] {strides = array<i32>} : memref<4096xi32, #tpu.memory_space<vmem>>, vector<16xi32>,
      %add3A_264 = arith.addi %add3A_261, %get3A_263 : vector<16xi32>
      %get3A_265 = arith.constant 80 : index
      %get3A_266 = tpu.vector_load %arg5[%get3A_265] {strides = array<i32>} : memref<4096xi32, #tpu.memory_space<vmem>>, vector<16xi32>,
      %get3A_267 = arith.constant 336 : index
      %get3A_268 = tpu.vector_load %arg5[%get3A_267] {strides = array<i32>} : memref<4096xi32, #tpu.memory_space<vmem>>, vector<16xi32>,
      %add3A_269 = arith.addi %get3A_266, %get3A_268 : vector<16xi32>
      %get3A_270 = arith.constant 592 : index
      %get3A_271 = tpu.vector_load %arg5[%get3A_270] {strides = array<i32>} : memref<4096xi32, #tpu.memory_space<vmem>>, vector<16xi32>,
      %add3A_272 = arith.addi %add3A_269, %get3A_271 : vector<16xi32>
      %get3A_273 = arith.constant 848 : index
      %get3A_274 = tpu.vector_load %arg5[%get3A_273] {strides = array<i32>} : memref<4096xi32, #tpu.memory_space<vmem>>, vector<16xi32>,
      %add3A_275 = arith.addi %add3A_272, %get3A_274 : vector<16xi32>
      %get3A_276 = arith.constant 1104 : index
      %get3A_277 = tpu.vector_load %arg5[%get3A_276] {strides = array<i32>} : memref<4096xi32, #tpu.memory_space<vmem>>, vector<16xi32>,
      %add3A_278 = arith.addi %add3A_275, %get3A_277 : vector<16xi32>
      %get3A_279 = arith.constant 1360 : index
      %get3A_280 = tpu.vector_load %arg5[%get3A_279] {strides = array<i32>} : memref<4096xi32, #tpu.memory_space<vmem>>, vector<16xi32>,
      %add3A_281 = arith.addi %add3A_278, %get3A_280 : vector<16xi32>
      %get3A_282 = arith.constant 1616 : index
      %get3A_283 = tpu.vector_load %arg5[%get3A_282] {strides = array<i32>} : memref<4096xi32, #tpu.memory_space<vmem>>, vector<16xi32>,
      %add3A_284 = arith.addi %add3A_281, %get3A_283 : vector<16xi32>
      %get3A_285 = arith.constant 1872 : index
      %get3A_286 = tpu.vector_load %arg5[%get3A_285] {strides = array<i32>} : memref<4096xi32, #tpu.memory_space<vmem>>, vector<16xi32>,
      %add3A_287 = arith.addi %add3A_284, %get3A_286 : vector<16xi32>
      %get3A_288 = arith.constant 2128 : index
      %get3A_289 = tpu.vector_load %arg5[%get3A_288] {strides = array<i32>} : memref<4096xi32, #tpu.memory_space<vmem>>, vector<16xi32>,
      %add3A_290 = arith.addi %add3A_287, %get3A_289 : vector<16xi32>
      %get3A_291 = arith.constant 2384 : index
      %get3A_292 = tpu.vector_load %arg5[%get3A_291] {strides = array<i32>} : memref<4096xi32, #tpu.memory_space<vmem>>, vector<16xi32>,
      %add3A_293 = arith.addi %add3A_290, %get3A_292 : vector<16xi32>
      %get3A_294 = arith.constant 2640 : index
      %get3A_295 = tpu.vector_load %arg5[%get3A_294] {strides = array<i32>} : memref<4096xi32, #tpu.memory_space<vmem>>, vector<16xi32>,
      %add3A_296 = arith.addi %add3A_293, %get3A_295 : vector<16xi32>
      %get3A_297 = arith.constant 2896 : index
      %get3A_298 = tpu.vector_load %arg5[%get3A_297] {strides = array<i32>} : memref<4096xi32, #tpu.memory_space<vmem>>, vector<16xi32>,
      %add3A_299 = arith.addi %add3A_296, %get3A_298 : vector<16xi32>
      %get3A_300 = arith.constant 3152 : index
      %get3A_301 = tpu.vector_load %arg5[%get3A_300] {strides = array<i32>} : memref<4096xi32, #tpu.memory_space<vmem>>, vector<16xi32>,
      %add3A_302 = arith.addi %add3A_299, %get3A_301 : vector<16xi32>
      %get3A_303 = arith.constant 3408 : index
      %get3A_304 = tpu.vector_load %arg5[%get3A_303] {strides = array<i32>} : memref<4096xi32, #tpu.memory_space<vmem>>, vector<16xi32>,
      %add3A_305 = arith.addi %add3A_302, %get3A_304 : vector<16xi32>
      %get3A_306 = arith.constant 3664 : index
      %get3A_307 = tpu.vector_load %arg5[%get3A_306] {strides = array<i32>} : memref<4096xi32, #tpu.memory_space<vmem>>, vector<16xi32>,
      %add3A_308 = arith.addi %add3A_305, %get3A_307 : vector<16xi32>
      %get3A_309 = arith.constant 3920 : index
      %get3A_310 = tpu.vector_load %arg5[%get3A_309] {strides = array<i32>} : memref<4096xi32, #tpu.memory_space<vmem>>, vector<16xi32>,
      %add3A_311 = arith.addi %add3A_308, %get3A_310 : vector<16xi32>
      %get3A_312 = arith.constant 96 : index
      %get3A_313 = tpu.vector_load %arg5[%get3A_312] {strides = array<i32>} : memref<4096xi32, #tpu.memory_space<vmem>>, vector<16xi32>,
      %get3A_314 = arith.constant 352 : index
      %get3A_315 = tpu.vector_load %arg5[%get3A_314] {strides = array<i32>} : memref<4096xi32, #tpu.memory_space<vmem>>, vector<16xi32>,
      %add3A_316 = arith.addi %get3A_313, %get3A_315 : vector<16xi32>
      %get3A_317 = arith.constant 608 : index
      %get3A_318 = tpu.vector_load %arg5[%get3A_317] {strides = array<i32>} : memref<4096xi32, #tpu.memory_space<vmem>>, vector<16xi32>,
      %add3A_319 = arith.addi %add3A_316, %get3A_318 : vector<16xi32>
      %get3A_320 = arith.constant 864 : index
      %get3A_321 = tpu.vector_load %arg5[%get3A_320] {strides = array<i32>} : memref<4096xi32, #tpu.memory_space<vmem>>, vector<16xi32>,
      %add3A_322 = arith.addi %add3A_319, %get3A_321 : vector<16xi32>
      %get3A_323 = arith.constant 1120 : index
      %get3A_324 = tpu.vector_load %arg5[%get3A_323] {strides = array<i32>} : memref<4096xi32, #tpu.memory_space<vmem>>, vector<16xi32>,
      %add3A_325 = arith.addi %add3A_322, %get3A_324 : vector<16xi32>
      %get3A_326 = arith.constant 1376 : index
      %get3A_327 = tpu.vector_load %arg5[%get3A_326] {strides = array<i32>} : memref<4096xi32, #tpu.memory_space<vmem>>, vector<16xi32>,
      %add3A_328 = arith.addi %add3A_325, %get3A_327 : vector<16xi32>
      %get3A_329 = arith.constant 1632 : index
      %get3A_330 = tpu.vector_load %arg5[%get3A_329] {strides = array<i32>} : memref<4096xi32, #tpu.memory_space<vmem>>, vector<16xi32>,
      %add3A_331 = arith.addi %add3A_328, %get3A_330 : vector<16xi32>
      %get3A_332 = arith.constant 1888 : index
      %get3A_333 = tpu.vector_load %arg5[%get3A_332] {strides = array<i32>} : memref<4096xi32, #tpu.memory_space<vmem>>, vector<16xi32>,
      %add3A_334 = arith.addi %add3A_331, %get3A_333 : vector<16xi32>
      %get3A_335 = arith.constant 2144 : index
      %get3A_336 = tpu.vector_load %arg5[%get3A_335] {strides = array<i32>} : memref<4096xi32, #tpu.memory_space<vmem>>, vector<16xi32>,
      %add3A_337 = arith.addi %add3A_334, %get3A_336 : vector<16xi32>
      %get3A_338 = arith.constant 2400 : index
      %get3A_339 = tpu.vector_load %arg5[%get3A_338] {strides = array<i32>} : memref<4096xi32, #tpu.memory_space<vmem>>, vector<16xi32>,
      %add3A_340 = arith.addi %add3A_337, %get3A_339 : vector<16xi32>
      %get3A_341 = arith.constant 2656 : index
      %get3A_342 = tpu.vector_load %arg5[%get3A_341] {strides = array<i32>} : memref<4096xi32, #tpu.memory_space<vmem>>, vector<16xi32>,
      %add3A_343 = arith.addi %add3A_340, %get3A_342 : vector<16xi32>
      %get3A_344 = arith.constant 2912 : index
      %get3A_345 = tpu.vector_load %arg5[%get3A_344] {strides = array<i32>} : memref<4096xi32, #tpu.memory_space<vmem>>, vector<16xi32>,
      %add3A_346 = arith.addi %add3A_343, %get3A_345 : vector<16xi32>
      %get3A_347 = arith.constant 3168 : index
      %get3A_348 = tpu.vector_load %arg5[%get3A_347] {strides = array<i32>} : memref<4096xi32, #tpu.memory_space<vmem>>, vector<16xi32>,
      %add3A_349 = arith.addi %add3A_346, %get3A_348 : vector<16xi32>
      %get3A_350 = arith.constant 3424 : index
      %get3A_351 = tpu.vector_load %arg5[%get3A_350] {strides = array<i32>} : memref<4096xi32, #tpu.memory_space<vmem>>, vector<16xi32>,
      %add3A_352 = arith.addi %add3A_349, %get3A_351 : vector<16xi32>
      %get3A_353 = arith.constant 3680 : index
      %get3A_354 = tpu.vector_load %arg5[%get3A_353] {strides = array<i32>} : memref<4096xi32, #tpu.memory_space<vmem>>, vector<16xi32>,
      %add3A_355 = arith.addi %add3A_352, %get3A_354 : vector<16xi32>
      %get3A_356 = arith.constant 3936 : index
      %get3A_357 = tpu.vector_load %arg5[%get3A_356] {strides = array<i32>} : memref<4096xi32, #tpu.memory_space<vmem>>, vector<16xi32>,
      %add3A_358 = arith.addi %add3A_355, %get3A_357 : vector<16xi32>
      %get3A_359 = arith.constant 112 : index
      %get3A_360 = tpu.vector_load %arg5[%get3A_359] {strides = array<i32>} : memref<4096xi32, #tpu.memory_space<vmem>>, vector<16xi32>,
      %get3A_361 = arith.constant 368 : index
      %get3A_362 = tpu.vector_load %arg5[%get3A_361] {strides = array<i32>} : memref<4096xi32, #tpu.memory_space<vmem>>, vector<16xi32>,
      %add3A_363 = arith.addi %get3A_360, %get3A_362 : vector<16xi32>
      %get3A_364 = arith.constant 624 : index
      %get3A_365 = tpu.vector_load %arg5[%get3A_364] {strides = array<i32>} : memref<4096xi32, #tpu.memory_space<vmem>>, vector<16xi32>,
      %add3A_366 = arith.addi %add3A_363, %get3A_365 : vector<16xi32>
      %get3A_367 = arith.constant 880 : index
      %get3A_368 = tpu.vector_load %arg5[%get3A_367] {strides = array<i32>} : memref<4096xi32, #tpu.memory_space<vmem>>, vector<16xi32>,
      %add3A_369 = arith.addi %add3A_366, %get3A_368 : vector<16xi32>
      %get3A_370 = arith.constant 1136 : index
      %get3A_371 = tpu.vector_load %arg5[%get3A_370] {strides = array<i32>} : memref<4096xi32, #tpu.memory_space<vmem>>, vector<16xi32>,
      %add3A_372 = arith.addi %add3A_369, %get3A_371 : vector<16xi32>
      %get3A_373 = arith.constant 1392 : index
      %get3A_374 = tpu.vector_load %arg5[%get3A_373] {strides = array<i32>} : memref<4096xi32, #tpu.memory_space<vmem>>, vector<16xi32>,
      %add3A_375 = arith.addi %add3A_372, %get3A_374 : vector<16xi32>
      %get3A_376 = arith.constant 1648 : index
      %get3A_377 = tpu.vector_load %arg5[%get3A_376] {strides = array<i32>} : memref<4096xi32, #tpu.memory_space<vmem>>, vector<16xi32>,
      %add3A_378 = arith.addi %add3A_375, %get3A_377 : vector<16xi32>
      %get3A_379 = arith.constant 1904 : index
      %get3A_380 = tpu.vector_load %arg5[%get3A_379] {strides = array<i32>} : memref<4096xi32, #tpu.memory_space<vmem>>, vector<16xi32>,
      %add3A_381 = arith.addi %add3A_378, %get3A_380 : vector<16xi32>
      %get3A_382 = arith.constant 2160 : index
      %get3A_383 = tpu.vector_load %arg5[%get3A_382] {strides = array<i32>} : memref<4096xi32, #tpu.memory_space<vmem>>, vector<16xi32>,
      %add3A_384 = arith.addi %add3A_381, %get3A_383 : vector<16xi32>
      %get3A_385 = arith.constant 2416 : index
      %get3A_386 = tpu.vector_load %arg5[%get3A_385] {strides = array<i32>} : memref<4096xi32, #tpu.memory_space<vmem>>, vector<16xi32>,
      %add3A_387 = arith.addi %add3A_384, %get3A_386 : vector<16xi32>
      %get3A_388 = arith.constant 2672 : index
      %get3A_389 = tpu.vector_load %arg5[%get3A_388] {strides = array<i32>} : memref<4096xi32, #tpu.memory_space<vmem>>, vector<16xi32>,
      %add3A_390 = arith.addi %add3A_387, %get3A_389 : vector<16xi32>
      %get3A_391 = arith.constant 2928 : index
      %get3A_392 = tpu.vector_load %arg5[%get3A_391] {strides = array<i32>} : memref<4096xi32, #tpu.memory_space<vmem>>, vector<16xi32>,
      %add3A_393 = arith.addi %add3A_390, %get3A_392 : vector<16xi32>
      %get3A_394 = arith.constant 3184 : index
      %get3A_395 = tpu.vector_load %arg5[%get3A_394] {strides = array<i32>} : memref<4096xi32, #tpu.memory_space<vmem>>, vector<16xi32>,
      %add3A_396 = arith.addi %add3A_393, %get3A_395 : vector<16xi32>
      %get3A_397 = arith.constant 3440 : index
      %get3A_398 = tpu.vector_load %arg5[%get3A_397] {strides = array<i32>} : memref<4096xi32, #tpu.memory_space<vmem>>, vector<16xi32>,
      %add3A_399 = arith.addi %add3A_396, %get3A_398 : vector<16xi32>
      %get3A_400 = arith.constant 3696 : index
      %get3A_401 = tpu.vector_load %arg5[%get3A_400] {strides = array<i32>} : memref<4096xi32, #tpu.memory_space<vmem>>, vector<16xi32>,
      %add3A_402 = arith.addi %add3A_399, %get3A_401 : vector<16xi32>
      %get3A_403 = arith.constant 3952 : index
      %get3A_404 = tpu.vector_load %arg5[%get3A_403] {strides = array<i32>} : memref<4096xi32, #tpu.memory_space<vmem>>, vector<16xi32>,
      %add3A_405 = arith.addi %add3A_402, %get3A_404 : vector<16xi32>
      %get3A_406 = arith.constant 128 : index
      %get3A_407 = tpu.vector_load %arg5[%get3A_406] {strides = array<i32>} : memref<4096xi32, #tpu.memory_space<vmem>>, vector<16xi32>,
      %get3A_408 = arith.constant 384 : index
      %get3A_409 = tpu.vector_load %arg5[%get3A_408] {strides = array<i32>} : memref<4096xi32, #tpu.memory_space<vmem>>, vector<16xi32>,
      %add3A_410 = arith.addi %get3A_407, %get3A_409 : vector<16xi32>
      %get3A_411 = arith.constant 640 : index
      %get3A_412 = tpu.vector_load %arg5[%get3A_411] {strides = array<i32>} : memref<4096xi32, #tpu.memory_space<vmem>>, vector<16xi32>,
      %add3A_413 = arith.addi %add3A_410, %get3A_412 : vector<16xi32>
      %get3A_414 = arith.constant 896 : index
      %get3A_415 = tpu.vector_load %arg5[%get3A_414] {strides = array<i32>} : memref<4096xi32, #tpu.memory_space<vmem>>, vector<16xi32>,
      %add3A_416 = arith.addi %add3A_413, %get3A_415 : vector<16xi32>
      %get3A_417 = arith.constant 1152 : index
      %get3A_418 = tpu.vector_load %arg5[%get3A_417] {strides = array<i32>} : memref<4096xi32, #tpu.memory_space<vmem>>, vector<16xi32>,
      %add3A_419 = arith.addi %add3A_416, %get3A_418 : vector<16xi32>
      %get3A_420 = arith.constant 1408 : index
      %get3A_421 = tpu.vector_load %arg5[%get3A_420] {strides = array<i32>} : memref<4096xi32, #tpu.memory_space<vmem>>, vector<16xi32>,
      %add3A_422 = arith.addi %add3A_419, %get3A_421 : vector<16xi32>
      %get3A_423 = arith.constant 1664 : index
      %get3A_424 = tpu.vector_load %arg5[%get3A_423] {strides = array<i32>} : memref<4096xi32, #tpu.memory_space<vmem>>, vector<16xi32>,
      %add3A_425 = arith.addi %add3A_422, %get3A_424 : vector<16xi32>
      %get3A_426 = arith.constant 1920 : index
      %get3A_427 = tpu.vector_load %arg5[%get3A_426] {strides = array<i32>} : memref<4096xi32, #tpu.memory_space<vmem>>, vector<16xi32>,
      %add3A_428 = arith.addi %add3A_425, %get3A_427 : vector<16xi32>
      %get3A_429 = arith.constant 2176 : index
      %get3A_430 = tpu.vector_load %arg5[%get3A_429] {strides = array<i32>} : memref<4096xi32, #tpu.memory_space<vmem>>, vector<16xi32>,
      %add3A_431 = arith.addi %add3A_428, %get3A_430 : vector<16xi32>
      %get3A_432 = arith.constant 2432 : index
      %get3A_433 = tpu.vector_load %arg5[%get3A_432] {strides = array<i32>} : memref<4096xi32, #tpu.memory_space<vmem>>, vector<16xi32>,
      %add3A_434 = arith.addi %add3A_431, %get3A_433 : vector<16xi32>
      %get3A_435 = arith.constant 2688 : index
      %get3A_436 = tpu.vector_load %arg5[%get3A_435] {strides = array<i32>} : memref<4096xi32, #tpu.memory_space<vmem>>, vector<16xi32>,
      %add3A_437 = arith.addi %add3A_434, %get3A_436 : vector<16xi32>
      %get3A_438 = arith.constant 2944 : index
      %get3A_439 = tpu.vector_load %arg5[%get3A_438] {strides = array<i32>} : memref<4096xi32, #tpu.memory_space<vmem>>, vector<16xi32>,
      %add3A_440 = arith.addi %add3A_437, %get3A_439 : vector<16xi32>
      %get3A_441 = arith.constant 3200 : index
      %get3A_442 = tpu.vector_load %arg5[%get3A_441] {strides = array<i32>} : memref<4096xi32, #tpu.memory_space<vmem>>, vector<16xi32>,
      %add3A_443 = arith.addi %add3A_440, %get3A_442 : vector<16xi32>
      %get3A_444 = arith.constant 3456 : index
      %get3A_445 = tpu.vector_load %arg5[%get3A_444] {strides = array<i32>} : memref<4096xi32, #tpu.memory_space<vmem>>, vector<16xi32>,
      %add3A_446 = arith.addi %add3A_443, %get3A_445 : vector<16xi32>
      %get3A_447 = arith.constant 3712 : index
      %get3A_448 = tpu.vector_load %arg5[%get3A_447] {strides = array<i32>} : memref<4096xi32, #tpu.memory_space<vmem>>, vector<16xi32>,
      %add3A_449 = arith.addi %add3A_446, %get3A_448 : vector<16xi32>
      %get3A_450 = arith.constant 3968 : index
      %get3A_451 = tpu.vector_load %arg5[%get3A_450] {strides = array<i32>} : memref<4096xi32, #tpu.memory_space<vmem>>, vector<16xi32>,
      %add3A_452 = arith.addi %add3A_449, %get3A_451 : vector<16xi32>
      %get3A_453 = arith.constant 144 : index
      %get3A_454 = tpu.vector_load %arg5[%get3A_453] {strides = array<i32>} : memref<4096xi32, #tpu.memory_space<vmem>>, vector<16xi32>,
      %get3A_455 = arith.constant 400 : index
      %get3A_456 = tpu.vector_load %arg5[%get3A_455] {strides = array<i32>} : memref<4096xi32, #tpu.memory_space<vmem>>, vector<16xi32>,
      %add3A_457 = arith.addi %get3A_454, %get3A_456 : vector<16xi32>
      %get3A_458 = arith.constant 656 : index
      %get3A_459 = tpu.vector_load %arg5[%get3A_458] {strides = array<i32>} : memref<4096xi32, #tpu.memory_space<vmem>>, vector<16xi32>,
      %add3A_460 = arith.addi %add3A_457, %get3A_459 : vector<16xi32>
      %get3A_461 = arith.constant 912 : index
      %get3A_462 = tpu.vector_load %arg5[%get3A_461] {strides = array<i32>} : memref<4096xi32, #tpu.memory_space<vmem>>, vector<16xi32>,
      %add3A_463 = arith.addi %add3A_460, %get3A_462 : vector<16xi32>
      %get3A_464 = arith.constant 1168 : index
      %get3A_465 = tpu.vector_load %arg5[%get3A_464] {strides = array<i32>} : memref<4096xi32, #tpu.memory_space<vmem>>, vector<16xi32>,
      %add3A_466 = arith.addi %add3A_463, %get3A_465 : vector<16xi32>
      %get3A_467 = arith.constant 1424 : index
      %get3A_468 = tpu.vector_load %arg5[%get3A_467] {strides = array<i32>} : memref<4096xi32, #tpu.memory_space<vmem>>, vector<16xi32>,
      %add3A_469 = arith.addi %add3A_466, %get3A_468 : vector<16xi32>
      %get3A_470 = arith.constant 1680 : index
      %get3A_471 = tpu.vector_load %arg5[%get3A_470] {strides = array<i32>} : memref<4096xi32, #tpu.memory_space<vmem>>, vector<16xi32>,
      %add3A_472 = arith.addi %add3A_469, %get3A_471 : vector<16xi32>
      %get3A_473 = arith.constant 1936 : index
      %get3A_474 = tpu.vector_load %arg5[%get3A_473] {strides = array<i32>} : memref<4096xi32, #tpu.memory_space<vmem>>, vector<16xi32>,
      %add3A_475 = arith.addi %add3A_472, %get3A_474 : vector<16xi32>
      %get3A_476 = arith.constant 2192 : index
      %get3A_477 = tpu.vector_load %arg5[%get3A_476] {strides = array<i32>} : memref<4096xi32, #tpu.memory_space<vmem>>, vector<16xi32>,
      %add3A_478 = arith.addi %add3A_475, %get3A_477 : vector<16xi32>
      %get3A_479 = arith.constant 2448 : index
      %get3A_480 = tpu.vector_load %arg5[%get3A_479] {strides = array<i32>} : memref<4096xi32, #tpu.memory_space<vmem>>, vector<16xi32>,
      %add3A_481 = arith.addi %add3A_478, %get3A_480 : vector<16xi32>
      %get3A_482 = arith.constant 2704 : index
      %get3A_483 = tpu.vector_load %arg5[%get3A_482] {strides = array<i32>} : memref<4096xi32, #tpu.memory_space<vmem>>, vector<16xi32>,
      %add3A_484 = arith.addi %add3A_481, %get3A_483 : vector<16xi32>
      %get3A_485 = arith.constant 2960 : index
      %get3A_486 = tpu.vector_load %arg5[%get3A_485] {strides = array<i32>} : memref<4096xi32, #tpu.memory_space<vmem>>, vector<16xi32>,
      %add3A_487 = arith.addi %add3A_484, %get3A_486 : vector<16xi32>
      %get3A_488 = arith.constant 3216 : index
      %get3A_489 = tpu.vector_load %arg5[%get3A_488] {strides = array<i32>} : memref<4096xi32, #tpu.memory_space<vmem>>, vector<16xi32>,
      %add3A_490 = arith.addi %add3A_487, %get3A_489 : vector<16xi32>
      %get3A_491 = arith.constant 3472 : index
      %get3A_492 = tpu.vector_load %arg5[%get3A_491] {strides = array<i32>} : memref<4096xi32, #tpu.memory_space<vmem>>, vector<16xi32>,
      %add3A_493 = arith.addi %add3A_490, %get3A_492 : vector<16xi32>
      %get3A_494 = arith.constant 3728 : index
      %get3A_495 = tpu.vector_load %arg5[%get3A_494] {strides = array<i32>} : memref<4096xi32, #tpu.memory_space<vmem>>, vector<16xi32>,
      %add3A_496 = arith.addi %add3A_493, %get3A_495 : vector<16xi32>
      %get3A_497 = arith.constant 3984 : index
      %get3A_498 = tpu.vector_load %arg5[%get3A_497] {strides = array<i32>} : memref<4096xi32, #tpu.memory_space<vmem>>, vector<16xi32>,
      %add3A_499 = arith.addi %add3A_496, %get3A_498 : vector<16xi32>
      %get3A_500 = arith.constant 160 : index
      %get3A_501 = tpu.vector_load %arg5[%get3A_500] {strides = array<i32>} : memref<4096xi32, #tpu.memory_space<vmem>>, vector<16xi32>,
      %get3A_502 = arith.constant 416 : index
      %get3A_503 = tpu.vector_load %arg5[%get3A_502] {strides = array<i32>} : memref<4096xi32, #tpu.memory_space<vmem>>, vector<16xi32>,
      %add3A_504 = arith.addi %get3A_501, %get3A_503 : vector<16xi32>
      %get3A_505 = arith.constant 672 : index
      %get3A_506 = tpu.vector_load %arg5[%get3A_505] {strides = array<i32>} : memref<4096xi32, #tpu.memory_space<vmem>>, vector<16xi32>,
      %add3A_507 = arith.addi %add3A_504, %get3A_506 : vector<16xi32>
      %get3A_508 = arith.constant 928 : index
      %get3A_509 = tpu.vector_load %arg5[%get3A_508] {strides = array<i32>} : memref<4096xi32, #tpu.memory_space<vmem>>, vector<16xi32>,
      %add3A_510 = arith.addi %add3A_507, %get3A_509 : vector<16xi32>
      %get3A_511 = arith.constant 1184 : index
      %get3A_512 = tpu.vector_load %arg5[%get3A_511] {strides = array<i32>} : memref<4096xi32, #tpu.memory_space<vmem>>, vector<16xi32>,
      %add3A_513 = arith.addi %add3A_510, %get3A_512 : vector<16xi32>
      %get3A_514 = arith.constant 1440 : index
      %get3A_515 = tpu.vector_load %arg5[%get3A_514] {strides = array<i32>} : memref<4096xi32, #tpu.memory_space<vmem>>, vector<16xi32>,
      %add3A_516 = arith.addi %add3A_513, %get3A_515 : vector<16xi32>
      %get3A_517 = arith.constant 1696 : index
      %get3A_518 = tpu.vector_load %arg5[%get3A_517] {strides = array<i32>} : memref<4096xi32, #tpu.memory_space<vmem>>, vector<16xi32>,
      %add3A_519 = arith.addi %add3A_516, %get3A_518 : vector<16xi32>
      %get3A_520 = arith.constant 1952 : index
      %get3A_521 = tpu.vector_load %arg5[%get3A_520] {strides = array<i32>} : memref<4096xi32, #tpu.memory_space<vmem>>, vector<16xi32>,
      %add3A_522 = arith.addi %add3A_519, %get3A_521 : vector<16xi32>
      %get3A_523 = arith.constant 2208 : index
      %get3A_524 = tpu.vector_load %arg5[%get3A_523] {strides = array<i32>} : memref<4096xi32, #tpu.memory_space<vmem>>, vector<16xi32>,
      %add3A_525 = arith.addi %add3A_522, %get3A_524 : vector<16xi32>
      %get3A_526 = arith.constant 2464 : index
      %get3A_527 = tpu.vector_load %arg5[%get3A_526] {strides = array<i32>} : memref<4096xi32, #tpu.memory_space<vmem>>, vector<16xi32>,
      %add3A_528 = arith.addi %add3A_525, %get3A_527 : vector<16xi32>
      %get3A_529 = arith.constant 2720 : index
      %get3A_530 = tpu.vector_load %arg5[%get3A_529] {strides = array<i32>} : memref<4096xi32, #tpu.memory_space<vmem>>, vector<16xi32>,
      %add3A_531 = arith.addi %add3A_528, %get3A_530 : vector<16xi32>
      %get3A_532 = arith.constant 2976 : index
      %get3A_533 = tpu.vector_load %arg5[%get3A_532] {strides = array<i32>} : memref<4096xi32, #tpu.memory_space<vmem>>, vector<16xi32>,
      %add3A_534 = arith.addi %add3A_531, %get3A_533 : vector<16xi32>
      %get3A_535 = arith.constant 3232 : index
      %get3A_536 = tpu.vector_load %arg5[%get3A_535] {strides = array<i32>} : memref<4096xi32, #tpu.memory_space<vmem>>, vector<16xi32>,
      %add3A_537 = arith.addi %add3A_534, %get3A_536 : vector<16xi32>
      %get3A_538 = arith.constant 3488 : index
      %get3A_539 = tpu.vector_load %arg5[%get3A_538] {strides = array<i32>} : memref<4096xi32, #tpu.memory_space<vmem>>, vector<16xi32>,
      %add3A_540 = arith.addi %add3A_537, %get3A_539 : vector<16xi32>
      %get3A_541 = arith.constant 3744 : index
      %get3A_542 = tpu.vector_load %arg5[%get3A_541] {strides = array<i32>} : memref<4096xi32, #tpu.memory_space<vmem>>, vector<16xi32>,
      %add3A_543 = arith.addi %add3A_540, %get3A_542 : vector<16xi32>
      %get3A_544 = arith.constant 4000 : index
      %get3A_545 = tpu.vector_load %arg5[%get3A_544] {strides = array<i32>} : memref<4096xi32, #tpu.memory_space<vmem>>, vector<16xi32>,
      %add3A_546 = arith.addi %add3A_543, %get3A_545 : vector<16xi32>
      %get3A_547 = arith.constant 176 : index
      %get3A_548 = tpu.vector_load %arg5[%get3A_547] {strides = array<i32>} : memref<4096xi32, #tpu.memory_space<vmem>>, vector<16xi32>,
      %get3A_549 = arith.constant 432 : index
      %get3A_550 = tpu.vector_load %arg5[%get3A_549] {strides = array<i32>} : memref<4096xi32, #tpu.memory_space<vmem>>, vector<16xi32>,
      %add3A_551 = arith.addi %get3A_548, %get3A_550 : vector<16xi32>
      %get3A_552 = arith.constant 688 : index
      %get3A_553 = tpu.vector_load %arg5[%get3A_552] {strides = array<i32>} : memref<4096xi32, #tpu.memory_space<vmem>>, vector<16xi32>,
      %add3A_554 = arith.addi %add3A_551, %get3A_553 : vector<16xi32>
      %get3A_555 = arith.constant 944 : index
      %get3A_556 = tpu.vector_load %arg5[%get3A_555] {strides = array<i32>} : memref<4096xi32, #tpu.memory_space<vmem>>, vector<16xi32>,
      %add3A_557 = arith.addi %add3A_554, %get3A_556 : vector<16xi32>
      %get3A_558 = arith.constant 1200 : index
      %get3A_559 = tpu.vector_load %arg5[%get3A_558] {strides = array<i32>} : memref<4096xi32, #tpu.memory_space<vmem>>, vector<16xi32>,
      %add3A_560 = arith.addi %add3A_557, %get3A_559 : vector<16xi32>
      %get3A_561 = arith.constant 1456 : index
      %get3A_562 = tpu.vector_load %arg5[%get3A_561] {strides = array<i32>} : memref<4096xi32, #tpu.memory_space<vmem>>, vector<16xi32>,
      %add3A_563 = arith.addi %add3A_560, %get3A_562 : vector<16xi32>
      %get3A_564 = arith.constant 1712 : index
      %get3A_565 = tpu.vector_load %arg5[%get3A_564] {strides = array<i32>} : memref<4096xi32, #tpu.memory_space<vmem>>, vector<16xi32>,
      %add3A_566 = arith.addi %add3A_563, %get3A_565 : vector<16xi32>
      %get3A_567 = arith.constant 1968 : index
      %get3A_568 = tpu.vector_load %arg5[%get3A_567] {strides = array<i32>} : memref<4096xi32, #tpu.memory_space<vmem>>, vector<16xi32>,
      %add3A_569 = arith.addi %add3A_566, %get3A_568 : vector<16xi32>
      %get3A_570 = arith.constant 2224 : index
      %get3A_571 = tpu.vector_load %arg5[%get3A_570] {strides = array<i32>} : memref<4096xi32, #tpu.memory_space<vmem>>, vector<16xi32>,
      %add3A_572 = arith.addi %add3A_569, %get3A_571 : vector<16xi32>
      %get3A_573 = arith.constant 2480 : index
      %get3A_574 = tpu.vector_load %arg5[%get3A_573] {strides = array<i32>} : memref<4096xi32, #tpu.memory_space<vmem>>, vector<16xi32>,
      %add3A_575 = arith.addi %add3A_572, %get3A_574 : vector<16xi32>
      %get3A_576 = arith.constant 2736 : index
      %get3A_577 = tpu.vector_load %arg5[%get3A_576] {strides = array<i32>} : memref<4096xi32, #tpu.memory_space<vmem>>, vector<16xi32>,
      %add3A_578 = arith.addi %add3A_575, %get3A_577 : vector<16xi32>
      %get3A_579 = arith.constant 2992 : index
      %get3A_580 = tpu.vector_load %arg5[%get3A_579] {strides = array<i32>} : memref<4096xi32, #tpu.memory_space<vmem>>, vector<16xi32>,
      %add3A_581 = arith.addi %add3A_578, %get3A_580 : vector<16xi32>
      %get3A_582 = arith.constant 3248 : index
      %get3A_583 = tpu.vector_load %arg5[%get3A_582] {strides = array<i32>} : memref<4096xi32, #tpu.memory_space<vmem>>, vector<16xi32>,
      %add3A_584 = arith.addi %add3A_581, %get3A_583 : vector<16xi32>
      %get3A_585 = arith.constant 3504 : index
      %get3A_586 = tpu.vector_load %arg5[%get3A_585] {strides = array<i32>} : memref<4096xi32, #tpu.memory_space<vmem>>, vector<16xi32>,
      %add3A_587 = arith.addi %add3A_584, %get3A_586 : vector<16xi32>
      %get3A_588 = arith.constant 3760 : index
      %get3A_589 = tpu.vector_load %arg5[%get3A_588] {strides = array<i32>} : memref<4096xi32, #tpu.memory_space<vmem>>, vector<16xi32>,
      %add3A_590 = arith.addi %add3A_587, %get3A_589 : vector<16xi32>
      %get3A_591 = arith.constant 4016 : index
      %get3A_592 = tpu.vector_load %arg5[%get3A_591] {strides = array<i32>} : memref<4096xi32, #tpu.memory_space<vmem>>, vector<16xi32>,
      %add3A_593 = arith.addi %add3A_590, %get3A_592 : vector<16xi32>
      %get3A_594 = arith.constant 192 : index
      %get3A_595 = tpu.vector_load %arg5[%get3A_594] {strides = array<i32>} : memref<4096xi32, #tpu.memory_space<vmem>>, vector<16xi32>,
      %get3A_596 = arith.constant 448 : index
      %get3A_597 = tpu.vector_load %arg5[%get3A_596] {strides = array<i32>} : memref<4096xi32, #tpu.memory_space<vmem>>, vector<16xi32>,
      %add3A_598 = arith.addi %get3A_595, %get3A_597 : vector<16xi32>
      %get3A_599 = arith.constant 704 : index
      %get3A_600 = tpu.vector_load %arg5[%get3A_599] {strides = array<i32>} : memref<4096xi32, #tpu.memory_space<vmem>>, vector<16xi32>,
      %add3A_601 = arith.addi %add3A_598, %get3A_600 : vector<16xi32>
      %get3A_602 = arith.constant 960 : index
      %get3A_603 = tpu.vector_load %arg5[%get3A_602] {strides = array<i32>} : memref<4096xi32, #tpu.memory_space<vmem>>, vector<16xi32>,
      %add3A_604 = arith.addi %add3A_601, %get3A_603 : vector<16xi32>
      %get3A_605 = arith.constant 1216 : index
      %get3A_606 = tpu.vector_load %arg5[%get3A_605] {strides = array<i32>} : memref<4096xi32, #tpu.memory_space<vmem>>, vector<16xi32>,
      %add3A_607 = arith.addi %add3A_604, %get3A_606 : vector<16xi32>
      %get3A_608 = arith.constant 1472 : index
      %get3A_609 = tpu.vector_load %arg5[%get3A_608] {strides = array<i32>} : memref<4096xi32, #tpu.memory_space<vmem>>, vector<16xi32>,
      %add3A_610 = arith.addi %add3A_607, %get3A_609 : vector<16xi32>
      %get3A_611 = arith.constant 1728 : index
      %get3A_612 = tpu.vector_load %arg5[%get3A_611] {strides = array<i32>} : memref<4096xi32, #tpu.memory_space<vmem>>, vector<16xi32>,
      %add3A_613 = arith.addi %add3A_610, %get3A_612 : vector<16xi32>
      %get3A_614 = arith.constant 1984 : index
      %get3A_615 = tpu.vector_load %arg5[%get3A_614] {strides = array<i32>} : memref<4096xi32, #tpu.memory_space<vmem>>, vector<16xi32>,
      %add3A_616 = arith.addi %add3A_613, %get3A_615 : vector<16xi32>
      %get3A_617 = arith.constant 2240 : index
      %get3A_618 = tpu.vector_load %arg5[%get3A_617] {strides = array<i32>} : memref<4096xi32, #tpu.memory_space<vmem>>, vector<16xi32>,
      %add3A_619 = arith.addi %add3A_616, %get3A_618 : vector<16xi32>
      %get3A_620 = arith.constant 2496 : index
      %get3A_621 = tpu.vector_load %arg5[%get3A_620] {strides = array<i32>} : memref<4096xi32, #tpu.memory_space<vmem>>, vector<16xi32>,
      %add3A_622 = arith.addi %add3A_619, %get3A_621 : vector<16xi32>
      %get3A_623 = arith.constant 2752 : index
      %get3A_624 = tpu.vector_load %arg5[%get3A_623] {strides = array<i32>} : memref<4096xi32, #tpu.memory_space<vmem>>, vector<16xi32>,
      %add3A_625 = arith.addi %add3A_622, %get3A_624 : vector<16xi32>
      %get3A_626 = arith.constant 3008 : index
      %get3A_627 = tpu.vector_load %arg5[%get3A_626] {strides = array<i32>} : memref<4096xi32, #tpu.memory_space<vmem>>, vector<16xi32>,
      %add3A_628 = arith.addi %add3A_625, %get3A_627 : vector<16xi32>
      %get3A_629 = arith.constant 3264 : index
      %get3A_630 = tpu.vector_load %arg5[%get3A_629] {strides = array<i32>} : memref<4096xi32, #tpu.memory_space<vmem>>, vector<16xi32>,
      %add3A_631 = arith.addi %add3A_628, %get3A_630 : vector<16xi32>
      %get3A_632 = arith.constant 3520 : index
      %get3A_633 = tpu.vector_load %arg5[%get3A_632] {strides = array<i32>} : memref<4096xi32, #tpu.memory_space<vmem>>, vector<16xi32>,
      %add3A_634 = arith.addi %add3A_631, %get3A_633 : vector<16xi32>
      %get3A_635 = arith.constant 3776 : index
      %get3A_636 = tpu.vector_load %arg5[%get3A_635] {strides = array<i32>} : memref<4096xi32, #tpu.memory_space<vmem>>, vector<16xi32>,
      %add3A_637 = arith.addi %add3A_634, %get3A_636 : vector<16xi32>
      %get3A_638 = arith.constant 4032 : index
      %get3A_639 = tpu.vector_load %arg5[%get3A_638] {strides = array<i32>} : memref<4096xi32, #tpu.memory_space<vmem>>, vector<16xi32>,
      %add3A_640 = arith.addi %add3A_637, %get3A_639 : vector<16xi32>
      %get3A_641 = arith.constant 208 : index
      %get3A_642 = tpu.vector_load %arg5[%get3A_641] {strides = array<i32>} : memref<4096xi32, #tpu.memory_space<vmem>>, vector<16xi32>,
      %get3A_643 = arith.constant 464 : index
      %get3A_644 = tpu.vector_load %arg5[%get3A_643] {strides = array<i32>} : memref<4096xi32, #tpu.memory_space<vmem>>, vector<16xi32>,
      %add3A_645 = arith.addi %get3A_642, %get3A_644 : vector<16xi32>
      %get3A_646 = arith.constant 720 : index
      %get3A_647 = tpu.vector_load %arg5[%get3A_646] {strides = array<i32>} : memref<4096xi32, #tpu.memory_space<vmem>>, vector<16xi32>,
      %add3A_648 = arith.addi %add3A_645, %get3A_647 : vector<16xi32>
      %get3A_649 = arith.constant 976 : index
      %get3A_650 = tpu.vector_load %arg5[%get3A_649] {strides = array<i32>} : memref<4096xi32, #tpu.memory_space<vmem>>, vector<16xi32>,
      %add3A_651 = arith.addi %add3A_648, %get3A_650 : vector<16xi32>
      %get3A_652 = arith.constant 1232 : index
      %get3A_653 = tpu.vector_load %arg5[%get3A_652] {strides = array<i32>} : memref<4096xi32, #tpu.memory_space<vmem>>, vector<16xi32>,
      %add3A_654 = arith.addi %add3A_651, %get3A_653 : vector<16xi32>
      %get3A_655 = arith.constant 1488 : index
      %get3A_656 = tpu.vector_load %arg5[%get3A_655] {strides = array<i32>} : memref<4096xi32, #tpu.memory_space<vmem>>, vector<16xi32>,
      %add3A_657 = arith.addi %add3A_654, %get3A_656 : vector<16xi32>
      %get3A_658 = arith.constant 1744 : index
      %get3A_659 = tpu.vector_load %arg5[%get3A_658] {strides = array<i32>} : memref<4096xi32, #tpu.memory_space<vmem>>, vector<16xi32>,
      %add3A_660 = arith.addi %add3A_657, %get3A_659 : vector<16xi32>
      %get3A_661 = arith.constant 2000 : index
      %get3A_662 = tpu.vector_load %arg5[%get3A_661] {strides = array<i32>} : memref<4096xi32, #tpu.memory_space<vmem>>, vector<16xi32>,
      %add3A_663 = arith.addi %add3A_660, %get3A_662 : vector<16xi32>
      %get3A_664 = arith.constant 2256 : index
      %get3A_665 = tpu.vector_load %arg5[%get3A_664] {strides = array<i32>} : memref<4096xi32, #tpu.memory_space<vmem>>, vector<16xi32>,
      %add3A_666 = arith.addi %add3A_663, %get3A_665 : vector<16xi32>
      %get3A_667 = arith.constant 2512 : index
      %get3A_668 = tpu.vector_load %arg5[%get3A_667] {strides = array<i32>} : memref<4096xi32, #tpu.memory_space<vmem>>, vector<16xi32>,
      %add3A_669 = arith.addi %add3A_666, %get3A_668 : vector<16xi32>
      %get3A_670 = arith.constant 2768 : index
      %get3A_671 = tpu.vector_load %arg5[%get3A_670] {strides = array<i32>} : memref<4096xi32, #tpu.memory_space<vmem>>, vector<16xi32>,
      %add3A_672 = arith.addi %add3A_669, %get3A_671 : vector<16xi32>
      %get3A_673 = arith.constant 3024 : index
      %get3A_674 = tpu.vector_load %arg5[%get3A_673] {strides = array<i32>} : memref<4096xi32, #tpu.memory_space<vmem>>, vector<16xi32>,
      %add3A_675 = arith.addi %add3A_672, %get3A_674 : vector<16xi32>
      %get3A_676 = arith.constant 3280 : index
      %get3A_677 = tpu.vector_load %arg5[%get3A_676] {strides = array<i32>} : memref<4096xi32, #tpu.memory_space<vmem>>, vector<16xi32>,
      %add3A_678 = arith.addi %add3A_675, %get3A_677 : vector<16xi32>
      %get3A_679 = arith.constant 3536 : index
      %get3A_680 = tpu.vector_load %arg5[%get3A_679] {strides = array<i32>} : memref<4096xi32, #tpu.memory_space<vmem>>, vector<16xi32>,
      %add3A_681 = arith.addi %add3A_678, %get3A_680 : vector<16xi32>
      %get3A_682 = arith.constant 3792 : index
      %get3A_683 = tpu.vector_load %arg5[%get3A_682] {strides = array<i32>} : memref<4096xi32, #tpu.memory_space<vmem>>, vector<16xi32>,
      %add3A_684 = arith.addi %add3A_681, %get3A_683 : vector<16xi32>
      %get3A_685 = arith.constant 4048 : index
      %get3A_686 = tpu.vector_load %arg5[%get3A_685] {strides = array<i32>} : memref<4096xi32, #tpu.memory_space<vmem>>, vector<16xi32>,
      %add3A_687 = arith.addi %add3A_684, %get3A_686 : vector<16xi32>
      %get3A_688 = arith.constant 224 : index
      %get3A_689 = tpu.vector_load %arg5[%get3A_688] {strides = array<i32>} : memref<4096xi32, #tpu.memory_space<vmem>>, vector<16xi32>,
      %get3A_690 = arith.constant 480 : index
      %get3A_691 = tpu.vector_load %arg5[%get3A_690] {strides = array<i32>} : memref<4096xi32, #tpu.memory_space<vmem>>, vector<16xi32>,
      %add3A_692 = arith.addi %get3A_689, %get3A_691 : vector<16xi32>
      %get3A_693 = arith.constant 736 : index
      %get3A_694 = tpu.vector_load %arg5[%get3A_693] {strides = array<i32>} : memref<4096xi32, #tpu.memory_space<vmem>>, vector<16xi32>,
      %add3A_695 = arith.addi %add3A_692, %get3A_694 : vector<16xi32>
      %get3A_696 = arith.constant 992 : index
      %get3A_697 = tpu.vector_load %arg5[%get3A_696] {strides = array<i32>} : memref<4096xi32, #tpu.memory_space<vmem>>, vector<16xi32>,
      %add3A_698 = arith.addi %add3A_695, %get3A_697 : vector<16xi32>
      %get3A_699 = arith.constant 1248 : index
      %get3A_700 = tpu.vector_load %arg5[%get3A_699] {strides = array<i32>} : memref<4096xi32, #tpu.memory_space<vmem>>, vector<16xi32>,
      %add3A_701 = arith.addi %add3A_698, %get3A_700 : vector<16xi32>
      %get3A_702 = arith.constant 1504 : index
      %get3A_703 = tpu.vector_load %arg5[%get3A_702] {strides = array<i32>} : memref<4096xi32, #tpu.memory_space<vmem>>, vector<16xi32>,
      %add3A_704 = arith.addi %add3A_701, %get3A_703 : vector<16xi32>
      %get3A_705 = arith.constant 1760 : index
      %get3A_706 = tpu.vector_load %arg5[%get3A_705] {strides = array<i32>} : memref<4096xi32, #tpu.memory_space<vmem>>, vector<16xi32>,
      %add3A_707 = arith.addi %add3A_704, %get3A_706 : vector<16xi32>
      %get3A_708 = arith.constant 2016 : index
      %get3A_709 = tpu.vector_load %arg5[%get3A_708] {strides = array<i32>} : memref<4096xi32, #tpu.memory_space<vmem>>, vector<16xi32>,
      %add3A_710 = arith.addi %add3A_707, %get3A_709 : vector<16xi32>
      %get3A_711 = arith.constant 2272 : index
      %get3A_712 = tpu.vector_load %arg5[%get3A_711] {strides = array<i32>} : memref<4096xi32, #tpu.memory_space<vmem>>, vector<16xi32>,
      %add3A_713 = arith.addi %add3A_710, %get3A_712 : vector<16xi32>
      %get3A_714 = arith.constant 2528 : index
      %get3A_715 = tpu.vector_load %arg5[%get3A_714] {strides = array<i32>} : memref<4096xi32, #tpu.memory_space<vmem>>, vector<16xi32>,
      %add3A_716 = arith.addi %add3A_713, %get3A_715 : vector<16xi32>
      %get3A_717 = arith.constant 2784 : index
      %get3A_718 = tpu.vector_load %arg5[%get3A_717] {strides = array<i32>} : memref<4096xi32, #tpu.memory_space<vmem>>, vector<16xi32>,
      %add3A_719 = arith.addi %add3A_716, %get3A_718 : vector<16xi32>
      %get3A_720 = arith.constant 3040 : index
      %get3A_721 = tpu.vector_load %arg5[%get3A_720] {strides = array<i32>} : memref<4096xi32, #tpu.memory_space<vmem>>, vector<16xi32>,
      %add3A_722 = arith.addi %add3A_719, %get3A_721 : vector<16xi32>
      %get3A_723 = arith.constant 3296 : index
      %get3A_724 = tpu.vector_load %arg5[%get3A_723] {strides = array<i32>} : memref<4096xi32, #tpu.memory_space<vmem>>, vector<16xi32>,
      %add3A_725 = arith.addi %add3A_722, %get3A_724 : vector<16xi32>
      %get3A_726 = arith.constant 3552 : index
      %get3A_727 = tpu.vector_load %arg5[%get3A_726] {strides = array<i32>} : memref<4096xi32, #tpu.memory_space<vmem>>, vector<16xi32>,
      %add3A_728 = arith.addi %add3A_725, %get3A_727 : vector<16xi32>
      %get3A_729 = arith.constant 3808 : index
      %get3A_730 = tpu.vector_load %arg5[%get3A_729] {strides = array<i32>} : memref<4096xi32, #tpu.memory_space<vmem>>, vector<16xi32>,
      %add3A_731 = arith.addi %add3A_728, %get3A_730 : vector<16xi32>
      %get3A_732 = arith.constant 4064 : index
      %get3A_733 = tpu.vector_load %arg5[%get3A_732] {strides = array<i32>} : memref<4096xi32, #tpu.memory_space<vmem>>, vector<16xi32>,
      %add3A_734 = arith.addi %add3A_731, %get3A_733 : vector<16xi32>
      %get3A_735 = arith.constant 240 : index
      %get3A_736 = tpu.vector_load %arg5[%get3A_735] {strides = array<i32>} : memref<4096xi32, #tpu.memory_space<vmem>>, vector<16xi32>,
      %get3A_737 = arith.constant 496 : index
      %get3A_738 = tpu.vector_load %arg5[%get3A_737] {strides = array<i32>} : memref<4096xi32, #tpu.memory_space<vmem>>, vector<16xi32>,
      %add3A_739 = arith.addi %get3A_736, %get3A_738 : vector<16xi32>
      %get3A_740 = arith.constant 752 : index
      %get3A_741 = tpu.vector_load %arg5[%get3A_740] {strides = array<i32>} : memref<4096xi32, #tpu.memory_space<vmem>>, vector<16xi32>,
      %add3A_742 = arith.addi %add3A_739, %get3A_741 : vector<16xi32>
      %get3A_743 = arith.constant 1008 : index
      %get3A_744 = tpu.vector_load %arg5[%get3A_743] {strides = array<i32>} : memref<4096xi32, #tpu.memory_space<vmem>>, vector<16xi32>,
      %add3A_745 = arith.addi %add3A_742, %get3A_744 : vector<16xi32>
      %get3A_746 = arith.constant 1264 : index
      %get3A_747 = tpu.vector_load %arg5[%get3A_746] {strides = array<i32>} : memref<4096xi32, #tpu.memory_space<vmem>>, vector<16xi32>,
      %add3A_748 = arith.addi %add3A_745, %get3A_747 : vector<16xi32>
      %get3A_749 = arith.constant 1520 : index
      %get3A_750 = tpu.vector_load %arg5[%get3A_749] {strides = array<i32>} : memref<4096xi32, #tpu.memory_space<vmem>>, vector<16xi32>,
      %add3A_751 = arith.addi %add3A_748, %get3A_750 : vector<16xi32>
      %get3A_752 = arith.constant 1776 : index
      %get3A_753 = tpu.vector_load %arg5[%get3A_752] {strides = array<i32>} : memref<4096xi32, #tpu.memory_space<vmem>>, vector<16xi32>,
      %add3A_754 = arith.addi %add3A_751, %get3A_753 : vector<16xi32>
      %get3A_755 = arith.constant 2032 : index
      %get3A_756 = tpu.vector_load %arg5[%get3A_755] {strides = array<i32>} : memref<4096xi32, #tpu.memory_space<vmem>>, vector<16xi32>,
      %add3A_757 = arith.addi %add3A_754, %get3A_756 : vector<16xi32>
      %get3A_758 = arith.constant 2288 : index
      %get3A_759 = tpu.vector_load %arg5[%get3A_758] {strides = array<i32>} : memref<4096xi32, #tpu.memory_space<vmem>>, vector<16xi32>,
      %add3A_760 = arith.addi %add3A_757, %get3A_759 : vector<16xi32>
      %get3A_761 = arith.constant 2544 : index
      %get3A_762 = tpu.vector_load %arg5[%get3A_761] {strides = array<i32>} : memref<4096xi32, #tpu.memory_space<vmem>>, vector<16xi32>,
      %add3A_763 = arith.addi %add3A_760, %get3A_762 : vector<16xi32>
      %get3A_764 = arith.constant 2800 : index
      %get3A_765 = tpu.vector_load %arg5[%get3A_764] {strides = array<i32>} : memref<4096xi32, #tpu.memory_space<vmem>>, vector<16xi32>,
      %add3A_766 = arith.addi %add3A_763, %get3A_765 : vector<16xi32>
      %get3A_767 = arith.constant 3056 : index
      %get3A_768 = tpu.vector_load %arg5[%get3A_767] {strides = array<i32>} : memref<4096xi32, #tpu.memory_space<vmem>>, vector<16xi32>,
      %add3A_769 = arith.addi %add3A_766, %get3A_768 : vector<16xi32>
      %get3A_770 = arith.constant 3312 : index
      %get3A_771 = tpu.vector_load %arg5[%get3A_770] {strides = array<i32>} : memref<4096xi32, #tpu.memory_space<vmem>>, vector<16xi32>,
      %add3A_772 = arith.addi %add3A_769, %get3A_771 : vector<16xi32>
      %get3A_773 = arith.constant 3568 : index
      %get3A_774 = tpu.vector_load %arg5[%get3A_773] {strides = array<i32>} : memref<4096xi32, #tpu.memory_space<vmem>>, vector<16xi32>,
      %add3A_775 = arith.addi %add3A_772, %get3A_774 : vector<16xi32>
      %get3A_776 = arith.constant 3824 : index
      %get3A_777 = tpu.vector_load %arg5[%get3A_776] {strides = array<i32>} : memref<4096xi32, #tpu.memory_space<vmem>>, vector<16xi32>,
      %add3A_778 = arith.addi %add3A_775, %get3A_777 : vector<16xi32>
      %get3A_779 = arith.constant 4080 : index
      %get3A_780 = tpu.vector_load %arg5[%get3A_779] {strides = array<i32>} : memref<4096xi32, #tpu.memory_space<vmem>>, vector<16xi32>,
      %add3A_781 = arith.addi %add3A_778, %get3A_780 : vector<16xi32>
      %reduce_sum3A = arith.constant true
      %reduce_sum3A_782 = vector.broadcast %reduce_sum3A : i1 to vector<16xi1>
      %reduce_sum3A_783 = tpu.scan <sum>, %add3A_76 masked %reduce_sum3A_782 : vector<16xi32>, vector<16xi1> -> vector<16xi32>
      %reduce_sum3A_784 = vector.extract %reduce_sum3A_783[15] : i32 from vector<16xi32>
      %reduce_sum3A_785 = arith.constant true
      %reduce_sum3A_786 = vector.broadcast %reduce_sum3A_785 : i1 to vector<16xi1>
      %reduce_sum3A_787 = tpu.scan <sum>, %add3A_123 masked %reduce_sum3A_786 : vector<16xi32>, vector<16xi1> -> vector<16xi32>
      %reduce_sum3A_788 = vector.extract %reduce_sum3A_787[15] : i32 from vector<16xi32>
      %reduce_sum3A_789 = arith.constant true
      %reduce_sum3A_790 = vector.broadcast %reduce_sum3A_789 : i1 to vector<16xi1>
      %reduce_sum3A_791 = tpu.scan <sum>, %add3A_170 masked %reduce_sum3A_790 : vector<16xi32>, vector<16xi1> -> vector<16xi32>
      %reduce_sum3A_792 = vector.extract %reduce_sum3A_791[15] : i32 from vector<16xi32>
      %reduce_sum3A_793 = arith.constant true
      %reduce_sum3A_794 = vector.broadcast %reduce_sum3A_793 : i1 to vector<16xi1>
      %reduce_sum3A_795 = tpu.scan <sum>, %add3A_217 masked %reduce_sum3A_794 : vector<16xi32>, vector<16xi1> -> vector<16xi32>
      %reduce_sum3A_796 = vector.extract %reduce_sum3A_795[15] : i32 from vector<16xi32>
      %reduce_sum3A_797 = arith.constant true
      %reduce_sum3A_798 = vector.broadcast %reduce_sum3A_797 : i1 to vector<16xi1>
      %reduce_sum3A_799 = tpu.scan <sum>, %add3A_264 masked %reduce_sum3A_798 : vector<16xi32>, vector<16xi1> -> vector<16xi32>
      %reduce_sum3A_800 = vector.extract %reduce_sum3A_799[15] : i32 from vector<16xi32>
      %reduce_sum3A_801 = arith.constant true
      %reduce_sum3A_802 = vector.broadcast %reduce_sum3A_801 : i1 to vector<16xi1>
      %reduce_sum3A_803 = tpu.scan <sum>, %add3A_311 masked %reduce_sum3A_802 : vector<16xi32>, vector<16xi1> -> vector<16xi32>
      %reduce_sum3A_804 = vector.extract %reduce_sum3A_803[15] : i32 from vector<16xi32>
      %reduce_sum3A_805 = arith.constant true
      %reduce_sum3A_806 = vector.broadcast %reduce_sum3A_805 : i1 to vector<16xi1>
      %reduce_sum3A_807 = tpu.scan <sum>, %add3A_358 masked %reduce_sum3A_806 : vector<16xi32>, vector<16xi1> -> vector<16xi32>
      %reduce_sum3A_808 = vector.extract %reduce_sum3A_807[15] : i32 from vector<16xi32>
      %reduce_sum3A_809 = arith.constant true
      %reduce_sum3A_810 = vector.broadcast %reduce_sum3A_809 : i1 to vector<16xi1>
      %reduce_sum3A_811 = tpu.scan <sum>, %add3A_405 masked %reduce_sum3A_810 : vector<16xi32>, vector<16xi1> -> vector<16xi32>
      %reduce_sum3A_812 = vector.extract %reduce_sum3A_811[15] : i32 from vector<16xi32>
      %reduce_sum3A_813 = arith.constant true
      %reduce_sum3A_814 = vector.broadcast %reduce_sum3A_813 : i1 to vector<16xi1>
      %reduce_sum3A_815 = tpu.scan <sum>, %add3A_452 masked %reduce_sum3A_814 : vector<16xi32>, vector<16xi1> -> vector<16xi32>
      %reduce_sum3A_816 = vector.extract %reduce_sum3A_815[15] : i32 from vector<16xi32>
      %reduce_sum3A_817 = arith.constant true
      %reduce_sum3A_818 = vector.broadcast %reduce_sum3A_817 : i1 to vector<16xi1>
      %reduce_sum3A_819 = tpu.scan <sum>, %add3A_499 masked %reduce_sum3A_818 : vector<16xi32>, vector<16xi1> -> vector<16xi32>
      %reduce_sum3A_820 = vector.extract %reduce_sum3A_819[15] : i32 from vector<16xi32>
      %reduce_sum3A_821 = arith.constant true
      %reduce_sum3A_822 = vector.broadcast %reduce_sum3A_821 : i1 to vector<16xi1>
      %reduce_sum3A_823 = tpu.scan <sum>, %add3A_546 masked %reduce_sum3A_822 : vector<16xi32>, vector<16xi1> -> vector<16xi32>
      %reduce_sum3A_824 = vector.extract %reduce_sum3A_823[15] : i32 from vector<16xi32>
      %reduce_sum3A_825 = arith.constant true
      %reduce_sum3A_826 = vector.broadcast %reduce_sum3A_825 : i1 to vector<16xi1>
      %reduce_sum3A_827 = tpu.scan <sum>, %add3A_593 masked %reduce_sum3A_826 : vector<16xi32>, vector<16xi1> -> vector<16xi32>
      %reduce_sum3A_828 = vector.extract %reduce_sum3A_827[15] : i32 from vector<16xi32>
      %reduce_sum3A_829 = arith.constant true
      %reduce_sum3A_830 = vector.broadcast %reduce_sum3A_829 : i1 to vector<16xi1>
      %reduce_sum3A_831 = tpu.scan <sum>, %add3A_640 masked %reduce_sum3A_830 : vector<16xi32>, vector<16xi1> -> vector<16xi32>
      %reduce_sum3A_832 = vector.extract %reduce_sum3A_831[15] : i32 from vector<16xi32>
      %reduce_sum3A_833 = arith.constant true
      %reduce_sum3A_834 = vector.broadcast %reduce_sum3A_833 : i1 to vector<16xi1>
      %reduce_sum3A_835 = tpu.scan <sum>, %add3A_687 masked %reduce_sum3A_834 : vector<16xi32>, vector<16xi1> -> vector<16xi32>
      %reduce_sum3A_836 = vector.extract %reduce_sum3A_835[15] : i32 from vector<16xi32>
      %reduce_sum3A_837 = arith.constant true
      %reduce_sum3A_838 = vector.broadcast %reduce_sum3A_837 : i1 to vector<16xi1>
      %reduce_sum3A_839 = tpu.scan <sum>, %add3A_734 masked %reduce_sum3A_838 : vector<16xi32>, vector<16xi1> -> vector<16xi32>
      %reduce_sum3A_840 = vector.extract %reduce_sum3A_839[15] : i32 from vector<16xi32>
      %reduce_sum3A_841 = arith.constant true
      %reduce_sum3A_842 = vector.broadcast %reduce_sum3A_841 : i1 to vector<16xi1>
      %reduce_sum3A_843 = tpu.scan <sum>, %add3A_781 masked %reduce_sum3A_842 : vector<16xi32>, vector<16xi1> -> vector<16xi32>
      %reduce_sum3A_844 = vector.extract %reduce_sum3A_843[15] : i32 from vector<16xi32>
      %add3A_845 = arith.constant 0 : i32
      %add3A_846 = arith.addi %add3A_845, %reduce_sum3A_844 : i32
      %add3A_847 = arith.addi %add3A_846, %reduce_sum3A_840 : i32
      %add3A_848 = arith.addi %add3A_847, %reduce_sum3A_836 : i32
      %add3A_849 = arith.addi %add3A_848, %reduce_sum3A_832 : i32
      %add3A_850 = arith.addi %add3A_849, %reduce_sum3A_828 : i32
      %add3A_851 = arith.addi %add3A_850, %reduce_sum3A_824 : i32
      %add3A_852 = arith.addi %add3A_851, %reduce_sum3A_820 : i32
      %add3A_853 = arith.addi %add3A_852, %reduce_sum3A_816 : i32
      %add3A_854 = arith.addi %add3A_853, %reduce_sum3A_812 : i32
      %add3A_855 = arith.addi %add3A_854, %reduce_sum3A_808 : i32
      %add3A_856 = arith.addi %add3A_855, %reduce_sum3A_804 : i32
      %add3A_857 = arith.addi %add3A_856, %reduce_sum3A_800 : i32
      %add3A_858 = arith.addi %add3A_857, %reduce_sum3A_796 : i32
      %add3A_859 = arith.addi %add3A_858, %reduce_sum3A_792 : i32
      %add3A_860 = arith.addi %add3A_859, %reduce_sum3A_788 : i32
      %add3A_861 = arith.addi %add3A_860, %reduce_sum3A_784 : i32
      %ge3A = arith.constant 33 : i32
      %ge3A_862 = arith.cmpi sge, %add3A_846, %ge3A : i32
      %lt3A = arith.constant 0 : i32
      %lt3A_863 = arith.constant 33 : i32
      %lt3A_864 = arith.cmpi slt, %lt3A, %lt3A_863 : i32
      %and3A = arith.andi %ge3A_862, %lt3A_864 : i1
      %jit3A = arith.constant 15 : i32
      %jit3A_865 = arith.constant 0 : i32
      %select_n3A = arith.select %and3A, %jit3A, %jit3A_865 : i32
      %jit3A_866 = arith.constant 0 : i32
      %jit3A_867 = arith.constant 0 : i32
      %select_n3A_868 = arith.select %and3A, %jit3A_866, %jit3A_867 : i32
      %ge3A_869 = arith.constant 33 : i32
      %ge3A_870 = arith.cmpi sge, %add3A_847, %ge3A_869 : i32
      %lt3A_871 = arith.constant 33 : i32
      %lt3A_872 = arith.cmpi slt, %add3A_846, %lt3A_871 : i32
      %and3A_873 = arith.andi %ge3A_870, %lt3A_872 : i1
      %jit3A_874 = arith.constant 14 : i32
      %select_n3A_875 = arith.select %and3A_873, %jit3A_874, %select_n3A : i32
      %select_n3A_876 = arith.select %and3A_873, %add3A_846, %select_n3A_868 : i32
      %ge3A_877 = arith.constant 33 : i32
      %ge3A_878 = arith.cmpi sge, %add3A_848, %ge3A_877 : i32
      %lt3A_879 = arith.constant 33 : i32
      %lt3A_880 = arith.cmpi slt, %add3A_847, %lt3A_879 : i32
      %and3A_881 = arith.andi %ge3A_878, %lt3A_880 : i1
      %jit3A_882 = arith.constant 13 : i32
      %select_n3A_883 = arith.select %and3A_881, %jit3A_882, %select_n3A_875 : i32
      %select_n3A_884 = arith.select %and3A_881, %add3A_847, %select_n3A_876 : i32
      %ge3A_885 = arith.constant 33 : i32
      %ge3A_886 = arith.cmpi sge, %add3A_849, %ge3A_885 : i32
      %lt3A_887 = arith.constant 33 : i32
      %lt3A_888 = arith.cmpi slt, %add3A_848, %lt3A_887 : i32
      %and3A_889 = arith.andi %ge3A_886, %lt3A_888 : i1
      %jit3A_890 = arith.constant 12 : i32
      %select_n3A_891 = arith.select %and3A_889, %jit3A_890, %select_n3A_883 : i32
      %select_n3A_892 = arith.select %and3A_889, %add3A_848, %select_n3A_884 : i32
      %ge3A_893 = arith.constant 33 : i32
      %ge3A_894 = arith.cmpi sge, %add3A_850, %ge3A_893 : i32
      %lt3A_895 = arith.constant 33 : i32
      %lt3A_896 = arith.cmpi slt, %add3A_849, %lt3A_895 : i32
      %and3A_897 = arith.andi %ge3A_894, %lt3A_896 : i1
      %jit3A_898 = arith.constant 11 : i32
      %select_n3A_899 = arith.select %and3A_897, %jit3A_898, %select_n3A_891 : i32
      %select_n3A_900 = arith.select %and3A_897, %add3A_849, %select_n3A_892 : i32
      %ge3A_901 = arith.constant 33 : i32
      %ge3A_902 = arith.cmpi sge, %add3A_851, %ge3A_901 : i32
      %lt3A_903 = arith.constant 33 : i32
      %lt3A_904 = arith.cmpi slt, %add3A_850, %lt3A_903 : i32
      %and3A_905 = arith.andi %ge3A_902, %lt3A_904 : i1
      %jit3A_906 = arith.constant 10 : i32
      %select_n3A_907 = arith.select %and3A_905, %jit3A_906, %select_n3A_899 : i32
      %select_n3A_908 = arith.select %and3A_905, %add3A_850, %select_n3A_900 : i32
      %ge3A_909 = arith.constant 33 : i32
      %ge3A_910 = arith.cmpi sge, %add3A_852, %ge3A_909 : i32
      %lt3A_911 = arith.constant 33 : i32
      %lt3A_912 = arith.cmpi slt, %add3A_851, %lt3A_911 : i32
      %and3A_913 = arith.andi %ge3A_910, %lt3A_912 : i1
      %jit3A_914 = arith.constant 9 : i32
      %select_n3A_915 = arith.select %and3A_913, %jit3A_914, %select_n3A_907 : i32
      %select_n3A_916 = arith.select %and3A_913, %add3A_851, %select_n3A_908 : i32
      %ge3A_917 = arith.constant 33 : i32
      %ge3A_918 = arith.cmpi sge, %add3A_853, %ge3A_917 : i32
      %lt3A_919 = arith.constant 33 : i32
      %lt3A_920 = arith.cmpi slt, %add3A_852, %lt3A_919 : i32
      %and3A_921 = arith.andi %ge3A_918, %lt3A_920 : i1
      %jit3A_922 = arith.constant 8 : i32
      %select_n3A_923 = arith.select %and3A_921, %jit3A_922, %select_n3A_915 : i32
      %select_n3A_924 = arith.select %and3A_921, %add3A_852, %select_n3A_916 : i32
      %ge3A_925 = arith.constant 33 : i32
      %ge3A_926 = arith.cmpi sge, %add3A_854, %ge3A_925 : i32
      %lt3A_927 = arith.constant 33 : i32
      %lt3A_928 = arith.cmpi slt, %add3A_853, %lt3A_927 : i32
      %and3A_929 = arith.andi %ge3A_926, %lt3A_928 : i1
      %jit3A_930 = arith.constant 7 : i32
      %select_n3A_931 = arith.select %and3A_929, %jit3A_930, %select_n3A_923 : i32
      %select_n3A_932 = arith.select %and3A_929, %add3A_853, %select_n3A_924 : i32
      %ge3A_933 = arith.constant 33 : i32
      %ge3A_934 = arith.cmpi sge, %add3A_855, %ge3A_933 : i32
      %lt3A_935 = arith.constant 33 : i32
      %lt3A_936 = arith.cmpi slt, %add3A_854, %lt3A_935 : i32
      %and3A_937 = arith.andi %ge3A_934, %lt3A_936 : i1
      %jit3A_938 = arith.constant 6 : i32
      %select_n3A_939 = arith.select %and3A_937, %jit3A_938, %select_n3A_931 : i32
      %select_n3A_940 = arith.select %and3A_937, %add3A_854, %select_n3A_932 : i32
      %ge3A_941 = arith.constant 33 : i32
      %ge3A_942 = arith.cmpi sge, %add3A_856, %ge3A_941 : i32
      %lt3A_943 = arith.constant 33 : i32
      %lt3A_944 = arith.cmpi slt, %add3A_855, %lt3A_943 : i32
      %and3A_945 = arith.andi %ge3A_942, %lt3A_944 : i1
      %jit3A_946 = arith.constant 5 : i32
      %select_n3A_947 = arith.select %and3A_945, %jit3A_946, %select_n3A_939 : i32
      %select_n3A_948 = arith.select %and3A_945, %add3A_855, %select_n3A_940 : i32
      %ge3A_949 = arith.constant 33 : i32
      %ge3A_950 = arith.cmpi sge, %add3A_857, %ge3A_949 : i32
      %lt3A_951 = arith.constant 33 : i32
      %lt3A_952 = arith.cmpi slt, %add3A_856, %lt3A_951 : i32
      %and3A_953 = arith.andi %ge3A_950, %lt3A_952 : i1
      %jit3A_954 = arith.constant 4 : i32
      %select_n3A_955 = arith.select %and3A_953, %jit3A_954, %select_n3A_947 : i32
      %select_n3A_956 = arith.select %and3A_953, %add3A_856, %select_n3A_948 : i32
      %ge3A_957 = arith.constant 33 : i32
      %ge3A_958 = arith.cmpi sge, %add3A_858, %ge3A_957 : i32
      %lt3A_959 = arith.constant 33 : i32
      %lt3A_960 = arith.cmpi slt, %add3A_857, %lt3A_959 : i32
      %and3A_961 = arith.andi %ge3A_958, %lt3A_960 : i1
      %jit3A_962 = arith.constant 3 : i32
      %select_n3A_963 = arith.select %and3A_961, %jit3A_962, %select_n3A_955 : i32
      %select_n3A_964 = arith.select %and3A_961, %add3A_857, %select_n3A_956 : i32
      %ge3A_965 = arith.constant 33 : i32
      %ge3A_966 = arith.cmpi sge, %add3A_859, %ge3A_965 : i32
      %lt3A_967 = arith.constant 33 : i32
      %lt3A_968 = arith.cmpi slt, %add3A_858, %lt3A_967 : i32
      %and3A_969 = arith.andi %ge3A_966, %lt3A_968 : i1
      %jit3A_970 = arith.constant 2 : i32
      %select_n3A_971 = arith.select %and3A_969, %jit3A_970, %select_n3A_963 : i32
      %select_n3A_972 = arith.select %and3A_969, %add3A_858, %select_n3A_964 : i32
      %ge3A_973 = arith.constant 33 : i32
      %ge3A_974 = arith.cmpi sge, %add3A_860, %ge3A_973 : i32
      %lt3A_975 = arith.constant 33 : i32
      %lt3A_976 = arith.cmpi slt, %add3A_859, %lt3A_975 : i32
      %and3A_977 = arith.andi %ge3A_974, %lt3A_976 : i1
      %jit3A_978 = arith.constant 1 : i32
      %select_n3A_979 = arith.select %and3A_977, %jit3A_978, %select_n3A_971 : i32
      %select_n3A_980 = arith.select %and3A_977, %add3A_859, %select_n3A_972 : i32
      %ge3A_981 = arith.constant 33 : i32
      %ge3A_982 = arith.cmpi sge, %add3A_861, %ge3A_981 : i32
      %lt3A_983 = arith.constant 33 : i32
      %lt3A_984 = arith.cmpi slt, %add3A_860, %lt3A_983 : i32
      %and3A_985 = arith.andi %ge3A_982, %lt3A_984 : i1
      %jit3A_986 = arith.constant 0 : i32
      %select_n3A_987 = arith.select %and3A_985, %jit3A_986, %select_n3A_979 : i32
      %select_n3A_988 = arith.select %and3A_985, %add3A_860, %select_n3A_980 : i32
      %broadcast_in_dim3A_989 = arith.constant 0 : i32
      %broadcast_in_dim3A_990 = vector.broadcast %broadcast_in_dim3A_989 : i32 to vector<16xi32>
      %eq3A = arith.constant 0 : i32
      %eq3A_991 = arith.cmpi eq, %select_n3A_987, %eq3A : i32
      %broadcast_in_dim3A_992 = vector.broadcast %eq3A_991 : i1 to vector<16xi1>
      %broadcast_in_dim3A_993 = arith.constant 0 : i32
      %broadcast_in_dim3A_994 = vector.broadcast %broadcast_in_dim3A_993 : i32 to vector<16xi32>
      %select_n3A_995 = arith.select %broadcast_in_dim3A_992, %add3A_76, %broadcast_in_dim3A_994 : vector<16xi1>, vector<16xi32>
      %add3A_996 = arith.addi %broadcast_in_dim3A_990, %select_n3A_995 : vector<16xi32>
      %eq3A_997 = arith.constant 1 : i32
      %eq3A_998 = arith.cmpi eq, %select_n3A_987, %eq3A_997 : i32
      %broadcast_in_dim3A_999 = vector.broadcast %eq3A_998 : i1 to vector<16xi1>
      %broadcast_in_dim3A_1000 = arith.constant 0 : i32
      %broadcast_in_dim3A_1001 = vector.broadcast %broadcast_in_dim3A_1000 : i32 to vector<16xi32>
      %select_n3A_1002 = arith.select %broadcast_in_dim3A_999, %add3A_123, %broadcast_in_dim3A_1001 : vector<16xi1>, vector<16xi32>
      %add3A_1003 = arith.addi %add3A_996, %select_n3A_1002 : vector<16xi32>
      %eq3A_1004 = arith.constant 2 : i32
      %eq3A_1005 = arith.cmpi eq, %select_n3A_987, %eq3A_1004 : i32
      %broadcast_in_dim3A_1006 = vector.broadcast %eq3A_1005 : i1 to vector<16xi1>
      %broadcast_in_dim3A_1007 = arith.constant 0 : i32
      %broadcast_in_dim3A_1008 = vector.broadcast %broadcast_in_dim3A_1007 : i32 to vector<16xi32>
      %select_n3A_1009 = arith.select %broadcast_in_dim3A_1006, %add3A_170, %broadcast_in_dim3A_1008 : vector<16xi1>, vector<16xi32>
      %add3A_1010 = arith.addi %add3A_1003, %select_n3A_1009 : vector<16xi32>
      %eq3A_1011 = arith.constant 3 : i32
      %eq3A_1012 = arith.cmpi eq, %select_n3A_987, %eq3A_1011 : i32
      %broadcast_in_dim3A_1013 = vector.broadcast %eq3A_1012 : i1 to vector<16xi1>
      %broadcast_in_dim3A_1014 = arith.constant 0 : i32
      %broadcast_in_dim3A_1015 = vector.broadcast %broadcast_in_dim3A_1014 : i32 to vector<16xi32>
      %select_n3A_1016 = arith.select %broadcast_in_dim3A_1013, %add3A_217, %broadcast_in_dim3A_1015 : vector<16xi1>, vector<16xi32>
      %add3A_1017 = arith.addi %add3A_1010, %select_n3A_1016 : vector<16xi32>
      %eq3A_1018 = arith.constant 4 : i32
      %eq3A_1019 = arith.cmpi eq, %select_n3A_987, %eq3A_1018 : i32
      %broadcast_in_dim3A_1020 = vector.broadcast %eq3A_1019 : i1 to vector<16xi1>
      %broadcast_in_dim3A_1021 = arith.constant 0 : i32
      %broadcast_in_dim3A_1022 = vector.broadcast %broadcast_in_dim3A_1021 : i32 to vector<16xi32>
      %select_n3A_1023 = arith.select %broadcast_in_dim3A_1020, %add3A_264, %broadcast_in_dim3A_1022 : vector<16xi1>, vector<16xi32>
      %add3A_1024 = arith.addi %add3A_1017, %select_n3A_1023 : vector<16xi32>
      %eq3A_1025 = arith.constant 5 : i32
      %eq3A_1026 = arith.cmpi eq, %select_n3A_987, %eq3A_1025 : i32
      %broadcast_in_dim3A_1027 = vector.broadcast %eq3A_1026 : i1 to vector<16xi1>
      %broadcast_in_dim3A_1028 = arith.constant 0 : i32
      %broadcast_in_dim3A_1029 = vector.broadcast %broadcast_in_dim3A_1028 : i32 to vector<16xi32>
      %select_n3A_1030 = arith.select %broadcast_in_dim3A_1027, %add3A_311, %broadcast_in_dim3A_1029 : vector<16xi1>, vector<16xi32>
      %add3A_1031 = arith.addi %add3A_1024, %select_n3A_1030 : vector<16xi32>
      %eq3A_1032 = arith.constant 6 : i32
      %eq3A_1033 = arith.cmpi eq, %select_n3A_987, %eq3A_1032 : i32
      %broadcast_in_dim3A_1034 = vector.broadcast %eq3A_1033 : i1 to vector<16xi1>
      %broadcast_in_dim3A_1035 = arith.constant 0 : i32
      %broadcast_in_dim3A_1036 = vector.broadcast %broadcast_in_dim3A_1035 : i32 to vector<16xi32>
      %select_n3A_1037 = arith.select %broadcast_in_dim3A_1034, %add3A_358, %broadcast_in_dim3A_1036 : vector<16xi1>, vector<16xi32>
      %add3A_1038 = arith.addi %add3A_1031, %select_n3A_1037 : vector<16xi32>
      %eq3A_1039 = arith.constant 7 : i32
      %eq3A_1040 = arith.cmpi eq, %select_n3A_987, %eq3A_1039 : i32
      %broadcast_in_dim3A_1041 = vector.broadcast %eq3A_1040 : i1 to vector<16xi1>
      %broadcast_in_dim3A_1042 = arith.constant 0 : i32
      %broadcast_in_dim3A_1043 = vector.broadcast %broadcast_in_dim3A_1042 : i32 to vector<16xi32>
      %select_n3A_1044 = arith.select %broadcast_in_dim3A_1041, %add3A_405, %broadcast_in_dim3A_1043 : vector<16xi1>, vector<16xi32>
      %add3A_1045 = arith.addi %add3A_1038, %select_n3A_1044 : vector<16xi32>
      %eq3A_1046 = arith.constant 8 : i32
      %eq3A_1047 = arith.cmpi eq, %select_n3A_987, %eq3A_1046 : i32
      %broadcast_in_dim3A_1048 = vector.broadcast %eq3A_1047 : i1 to vector<16xi1>
      %broadcast_in_dim3A_1049 = arith.constant 0 : i32
      %broadcast_in_dim3A_1050 = vector.broadcast %broadcast_in_dim3A_1049 : i32 to vector<16xi32>
      %select_n3A_1051 = arith.select %broadcast_in_dim3A_1048, %add3A_452, %broadcast_in_dim3A_1050 : vector<16xi1>, vector<16xi32>
      %add3A_1052 = arith.addi %add3A_1045, %select_n3A_1051 : vector<16xi32>
      %eq3A_1053 = arith.constant 9 : i32
      %eq3A_1054 = arith.cmpi eq, %select_n3A_987, %eq3A_1053 : i32
      %broadcast_in_dim3A_1055 = vector.broadcast %eq3A_1054 : i1 to vector<16xi1>
      %broadcast_in_dim3A_1056 = arith.constant 0 : i32
      %broadcast_in_dim3A_1057 = vector.broadcast %broadcast_in_dim3A_1056 : i32 to vector<16xi32>
      %select_n3A_1058 = arith.select %broadcast_in_dim3A_1055, %add3A_499, %broadcast_in_dim3A_1057 : vector<16xi1>, vector<16xi32>
      %add3A_1059 = arith.addi %add3A_1052, %select_n3A_1058 : vector<16xi32>
      %eq3A_1060 = arith.constant 10 : i32
      %eq3A_1061 = arith.cmpi eq, %select_n3A_987, %eq3A_1060 : i32
      %broadcast_in_dim3A_1062 = vector.broadcast %eq3A_1061 : i1 to vector<16xi1>
      %broadcast_in_dim3A_1063 = arith.constant 0 : i32
      %broadcast_in_dim3A_1064 = vector.broadcast %broadcast_in_dim3A_1063 : i32 to vector<16xi32>
      %select_n3A_1065 = arith.select %broadcast_in_dim3A_1062, %add3A_546, %broadcast_in_dim3A_1064 : vector<16xi1>, vector<16xi32>
      %add3A_1066 = arith.addi %add3A_1059, %select_n3A_1065 : vector<16xi32>
      %eq3A_1067 = arith.constant 11 : i32
      %eq3A_1068 = arith.cmpi eq, %select_n3A_987, %eq3A_1067 : i32
      %broadcast_in_dim3A_1069 = vector.broadcast %eq3A_1068 : i1 to vector<16xi1>
      %broadcast_in_dim3A_1070 = arith.constant 0 : i32
      %broadcast_in_dim3A_1071 = vector.broadcast %broadcast_in_dim3A_1070 : i32 to vector<16xi32>
      %select_n3A_1072 = arith.select %broadcast_in_dim3A_1069, %add3A_593, %broadcast_in_dim3A_1071 : vector<16xi1>, vector<16xi32>
      %add3A_1073 = arith.addi %add3A_1066, %select_n3A_1072 : vector<16xi32>
      %eq3A_1074 = arith.constant 12 : i32
      %eq3A_1075 = arith.cmpi eq, %select_n3A_987, %eq3A_1074 : i32
      %broadcast_in_dim3A_1076 = vector.broadcast %eq3A_1075 : i1 to vector<16xi1>
      %broadcast_in_dim3A_1077 = arith.constant 0 : i32
      %broadcast_in_dim3A_1078 = vector.broadcast %broadcast_in_dim3A_1077 : i32 to vector<16xi32>
      %select_n3A_1079 = arith.select %broadcast_in_dim3A_1076, %add3A_640, %broadcast_in_dim3A_1078 : vector<16xi1>, vector<16xi32>
      %add3A_1080 = arith.addi %add3A_1073, %select_n3A_1079 : vector<16xi32>
      %eq3A_1081 = arith.constant 13 : i32
      %eq3A_1082 = arith.cmpi eq, %select_n3A_987, %eq3A_1081 : i32
      %broadcast_in_dim3A_1083 = vector.broadcast %eq3A_1082 : i1 to vector<16xi1>
      %broadcast_in_dim3A_1084 = arith.constant 0 : i32
      %broadcast_in_dim3A_1085 = vector.broadcast %broadcast_in_dim3A_1084 : i32 to vector<16xi32>
      %select_n3A_1086 = arith.select %broadcast_in_dim3A_1083, %add3A_687, %broadcast_in_dim3A_1085 : vector<16xi1>, vector<16xi32>
      %add3A_1087 = arith.addi %add3A_1080, %select_n3A_1086 : vector<16xi32>
      %eq3A_1088 = arith.constant 14 : i32
      %eq3A_1089 = arith.cmpi eq, %select_n3A_987, %eq3A_1088 : i32
      %broadcast_in_dim3A_1090 = vector.broadcast %eq3A_1089 : i1 to vector<16xi1>
      %broadcast_in_dim3A_1091 = arith.constant 0 : i32
      %broadcast_in_dim3A_1092 = vector.broadcast %broadcast_in_dim3A_1091 : i32 to vector<16xi32>
      %select_n3A_1093 = arith.select %broadcast_in_dim3A_1090, %add3A_734, %broadcast_in_dim3A_1092 : vector<16xi1>, vector<16xi32>
      %add3A_1094 = arith.addi %add3A_1087, %select_n3A_1093 : vector<16xi32>
      %eq3A_1095 = arith.constant 15 : i32
      %eq3A_1096 = arith.cmpi eq, %select_n3A_987, %eq3A_1095 : i32
      %broadcast_in_dim3A_1097 = vector.broadcast %eq3A_1096 : i1 to vector<16xi1>
      %broadcast_in_dim3A_1098 = arith.constant 0 : i32
      %broadcast_in_dim3A_1099 = vector.broadcast %broadcast_in_dim3A_1098 : i32 to vector<16xi32>
      %select_n3A_1100 = arith.select %broadcast_in_dim3A_1097, %add3A_781, %broadcast_in_dim3A_1099 : vector<16xi1>, vector<16xi32>
      %add3A_1101 = arith.addi %add3A_1094, %select_n3A_1100 : vector<16xi32>
      %rev3A = arith.constant 15 : i32
      %rev3A_1102 = vector.broadcast %rev3A : i32 to vector<16xi32>
      %rev3A_1103 = tpu.iota {dimensions = array<i32: 0>} : vector<16xi32>
      %rev3A_1104 = arith.subi %rev3A_1102, %rev3A_1103 : vector<16xi32>
      %rev3A_1105 = tpu.dynamic_gather %add3A_1101[%rev3A_1104] in [0] : vector<16xi32>, vector<16xi32> -> vector<16xi32>
      %cumsum3A = arith.constant true
      %cumsum3A_1106 = vector.broadcast %cumsum3A : i1 to vector<16xi1>
      %cumsum3A_1107 = tpu.scan <sum>, %rev3A_1105 masked %cumsum3A_1106 : vector<16xi32>, vector<16xi1> -> vector<16xi32>
      %sub3A = arith.constant 33 : i32
      %sub3A_1108 = arith.subi %sub3A, %select_n3A_988 : i32
      %broadcast_in_dim3A_1109 = vector.broadcast %sub3A_1108 : i32 to vector<16xi32>
      %ge3A_1110 = arith.cmpi sge, %cumsum3A_1107, %broadcast_in_dim3A_1109 : vector<16xi32>
      %all_reduce_ffs3A = tpu.all_reduce %ge3A_1110 {dim = 0 : i64, kind = #tpu.reduction_kind<find_first_set>} : vector<16xi1> -> vector<16xi32>
      %reduce_sum3A_1111 = arith.constant true
      %reduce_sum3A_1112 = vector.broadcast %reduce_sum3A_1111 : i1 to vector<16xi1>
      %reduce_sum3A_1113 = tpu.scan <sum>, %all_reduce_ffs3A masked %reduce_sum3A_1112 : vector<16xi32>, vector<16xi1> -> vector<16xi32>
      %reduce_sum3A_1114 = vector.extract %reduce_sum3A_1113[15] : i32 from vector<16xi32>
      %jit3A_1115 = arith.constant 16 : i32
      %div3A = arith.divsi %reduce_sum3A_1114, %jit3A_1115 : i32
      %sign3A = arith.constant 0 : i32
      %sign3A_1116 = arith.cmpi sgt, %reduce_sum3A_1114, %sign3A : i32
      %sign3A_1117 = arith.extui %sign3A_1116 : i1 to i32
      %sign3A_1118 = arith.constant 0 : i32
      %sign3A_1119 = arith.cmpi slt, %reduce_sum3A_1114, %sign3A_1118 : i32
      %sign3A_1120 = arith.extui %sign3A_1119 : i1 to i32
      %sign3A_1121 = arith.subi %sign3A_1117, %sign3A_1120 : i32
      %sign3A_1122 = arith.constant 0 : i32
      %sign3A_1123 = arith.cmpi sgt, %jit3A_1115, %sign3A_1122 : i32
      %sign3A_1124 = arith.extui %sign3A_1123 : i1 to i32
      %sign3A_1125 = arith.constant 0 : i32
      %sign3A_1126 = arith.cmpi slt, %jit3A_1115, %sign3A_1125 : i32
      %sign3A_1127 = arith.extui %sign3A_1126 : i1 to i32
      %sign3A_1128 = arith.subi %sign3A_1124, %sign3A_1127 : i32
      %ne3A = arith.cmpi ne, %sign3A_1121, %sign3A_1128 : i32
      %rem3A = arith.remsi %reduce_sum3A_1114, %jit3A_1115 : i32
      %ne3A_1129 = arith.constant 0 : i32
      %ne3A_1130 = arith.cmpi ne, %rem3A, %ne3A_1129 : i32
      %and3A_1131 = arith.andi %ne3A, %ne3A_1130 : i1
      %sub3A_1132 = arith.constant 1 : i32
      %sub3A_1133 = arith.subi %div3A, %sub3A_1132 : i32
      %select_n3A_1134 = arith.select %and3A_1131, %sub3A_1133, %div3A : i32
      %mul3A_1135 = arith.constant 16 : i32
      %mul3A_1136 = arith.muli %select_n3A_987, %mul3A_1135 : i32
      %sub3A_1137 = arith.constant 15 : i32
      %sub3A_1138 = arith.subi %sub3A_1137, %select_n3A_1134 : i32
      %add3A_1139 = arith.addi %mul3A_1136, %sub3A_1138 : i32
      %convert_element_type3A = arith.sitofp %add3A_1139 : i32 to f32
      %mul3A_1140 = arith.constant 8.000000e-03 : f32
      %mul3A_1141 = arith.mulf %convert_element_type3A, %mul3A_1140 : f32
      %sub3A_1142 = arith.constant 1.010000e+00 : f32
      %sub3A_1143 = arith.subf %mul3A_1141, %sub3A_1142 : f32
      %and3A_1144 = arith.constant 15 : i32
      %and3A_1145 = arith.andi %scan3A_12, %and3A_1144 : i32
      %eq3A_1146 = vector.broadcast %and3A_1145 : i32 to vector<16xi32>
      %eq3A_1147 = arith.cmpi eq, %iota3A, %eq3A_1146 : vector<16xi32>
      %broadcast_in_dim3A_1148 = vector.broadcast %sub3A_1143 : f32 to vector<16xf32>
      %convert_element_type3A_1149 = arith.sitofp %add3A_781 : vector<16xi32> to vector<16xf32>
      %select_n3A_1150 = arith.select %eq3A_1147, %broadcast_in_dim3A_1148, %convert_element_type3A_1149 : vector<16xi1>, vector<16xf32>
      %and3A_1151 = arith.constant 15 : i32
      %and3A_1152 = arith.andi %scan3A_12, %and3A_1151 : i32
      %eq3A_1153 = arith.constant 15 : i32
      %eq3A_1154 = arith.cmpi eq, %and3A_1152, %eq3A_1153 : i32
      %convert_element_type3A_1155 = arith.extui %eq3A_1154 : i1 to i32
      %cond3A = arith.constant 0 : i32
      %cond3A_1156 = arith.cmpi ne, %convert_element_type3A_1155, %cond3A : i32
      scf.if %cond3A_1156 {
        %sub3A_1157 = arith.constant 15 : i32
        %sub3A_1158 = arith.subi %scan3A_12, %sub3A_1157 : i32
        %swap3A = arith.index_cast %sub3A_1158 : i32 to index
        %swap3A_1159 = tpu.vector_load %arg6[%swap3A] {strides = array<i32>} : memref<128xf32, #tpu.memory_space<vmem>>, vector<16xf32>,
        tpu.vector_store %arg6[%swap3A], %select_n3A_1150 {strides = array<i32>} : memref<128xf32, #tpu.memory_space<vmem>>, vector<16xf32>,
      } else {
      }
      scf.yield %select_n3A_1150 : vector<16xf32>
    }
    %scan3A_9 = arith.constant 128 : i32
    %mul3A_10 = arith.constant 128 : i32
    %mul3A_11 = arith.muli %add3A, %mul3A_10 : i32
    "tpu.region"() ({
      %run_scoped3A = tpu.sem_alloc : memref<!tpu.dma_semaphore, #tpu.memory_space<semaphore_mem>>
      %dma_start3A = tpu.memref_slice %arg3[%mul3A_11] : memref<4096xf32, #tpu.memory_space<hbm>> -> memref<128xf32, #tpu.memory_space<hbm>>
      %dma_start3A_12 = tpu.memref_slice %arg3[%mul3A_11] : memref<4096xf32, #tpu.memory_space<hbm>> -> memref<128xf32, #tpu.memory_space<hbm>>
      tpu.enqueue_dma source(%arg6 : memref<128xf32, #tpu.memory_space<vmem>>) target(%dma_start3A_12 : memref<128xf32, #tpu.memory_space<hbm>>) target_semaphore(%run_scoped3A : memref<!tpu.dma_semaphore, #tpu.memory_space<semaphore_mem>>)
      %dma_wait3A = tpu.memref_slice %arg3[%mul3A_11] : memref<4096xf32, #tpu.memory_space<hbm>> -> memref<128xf32, #tpu.memory_space<hbm>>
      %dma_wait3A_13 = tpu.memref_slice %arg3[%mul3A_11] : memref<4096xf32, #tpu.memory_space<hbm>> -> memref<128xf32, #tpu.memory_space<hbm>>
      tpu.wait_dma2 semaphore(%run_scoped3A : memref<!tpu.dma_semaphore, #tpu.memory_space<semaphore_mem>>) src(%arg6 : memref<128xf32, #tpu.memory_space<vmem>>) dst(%dma_wait3A_13 : memref<128xf32, #tpu.memory_space<hbm>>)
      tpu.yield
    }) : () -> ()
    return
  }
}

module attributes {stable_mosaic.version = 14 : i64} {
  func.func @_tca_body(%arg0: i32, %arg1: memref<4096x128xf32, #tpu.memory_space<vmem>>, %arg2: memref<256x4096xi32, #tpu.memory_space<vmem>>, %arg3: memref<4096x128xf32, #tpu.memory_space<vmem>>) attributes {dimension_semantics = [#tpu.dimension_semantics<arbitrary>], iteration_bounds = array<i64: 16>, scalar_prefetch = 0 : i64, scratch_operands = 1 : i64, tpu.core_type = #tpu.core_type<tc>, window_params = [{pipeline_mode = #tpu.pipeline_mode<synchronous>, transform_indices = @transform_0, window_bounds = array<i64: 4096, 128>}, {transform_indices = @transform_1, window_bounds = array<i64: 256, 4096>}]} {
    %eq3A = arith.constant 0 : i32
    %eq3A_0 = arith.cmpi eq, %arg0, %eq3A : i32
    %convert_element_type3A = arith.extui %eq3A_0 : i1 to i32
    %cond3A = arith.constant 0 : i32
    %cond3A_1 = arith.cmpi ne, %convert_element_type3A, %cond3A : i32
    scf.if %cond3A_1 {
      %get3A_20 = arith.constant 0 : index
      %get3A_21 = arith.constant 0 : index
      %get3A_22 = vector.load %arg1[%get3A_20, %get3A_21] : memref<4096x128xf32, #tpu.memory_space<vmem>>, vector<4096x128xf32>
      %mul3A_23 = arith.mulf %get3A_22, %get3A_22 : vector<4096x128xf32>
      %reduce_sum3A = arith.constant dense<0.000000e+00> : vector<4096xf32>
      %reduce_sum3A_24 = vector.multi_reduction <add>, %mul3A_23, %reduce_sum3A [1] : vector<4096x128xf32> to vector<4096xf32>
      %broadcast_in_dim3A = vector.shape_cast %reduce_sum3A_24 : vector<4096xf32> to vector<4096x1xf32>
      %max3A_25 = arith.constant 9.99999996E-13 : f32
      %max3A_26 = vector.broadcast %max3A_25 : f32 to vector<4096x1xf32>
      %max3A_27 = arith.maximumf %broadcast_in_dim3A, %max3A_26 : vector<4096x1xf32>
      %rsqrt3A = math.rsqrt %max3A_27 : vector<4096x1xf32>
      %mul3A_28 = vector.broadcast %rsqrt3A : vector<4096x1xf32> to vector<4096x128xf32>
      %mul3A_29 = arith.mulf %get3A_22, %mul3A_28 : vector<4096x128xf32>
      %swap3A_30 = arith.constant 0 : index
      %swap3A_31 = arith.constant 0 : index
      %swap3A_32 = vector.load %arg3[%swap3A_30, %swap3A_31] : memref<4096x128xf32, #tpu.memory_space<vmem>>, vector<4096x128xf32>
      tpu.vector_store %arg3[%swap3A_30, %swap3A_31], %mul3A_29 {strides = array<i32>} : memref<4096x128xf32, #tpu.memory_space<vmem>>, vector<4096x128xf32>,
    } else {
    }
    %get3A = arith.constant 0 : index
    %get3A_2 = arith.constant 0 : index
    %get3A_3 = vector.load %arg3[%get3A, %get3A_2] : memref<4096x128xf32, #tpu.memory_space<vmem>>, vector<4096x128xf32>
    %mul3A = arith.constant 256 : i32
    %mul3A_4 = arith.muli %arg0, %mul3A : i32
    %get3A_5 = arith.index_cast %mul3A_4 : i32 to index
    %get3A_6 = arith.constant 0 : index
    %get3A_7 = vector.load %arg3[%get3A_5, %get3A_6] : memref<4096x128xf32, #tpu.memory_space<vmem>>, vector<256x128xf32>
    %dot_general3A = arith.constant dense<0.000000e+00> : vector<256x4096xf32>
    %dot_general3A_8 = tpu.matmul %get3A_7, %get3A_3, %dot_general3A {dimension_numbers = #tpu.dot_dimension_numbers<[1], [1], [0], [0], [0, 0, 1, 0], [], []>, transpose_lhs_hint = false} : vector<256x128xf32>, vector<4096x128xf32>, vector<256x4096xf32> -> vector<256x4096xf32>
    %add3A = arith.constant 1.010000e+00 : f32
    %add3A_9 = vector.broadcast %add3A : f32 to vector<256x4096xf32>
    %add3A_10 = arith.addf %dot_general3A_8, %add3A_9 : vector<256x4096xf32>
    %mul3A_11 = arith.constant 1.600000e+04 : f32
    %mul3A_12 = vector.broadcast %mul3A_11 : f32 to vector<256x4096xf32>
    %mul3A_13 = arith.mulf %add3A_10, %mul3A_12 : vector<256x4096xf32>
    %jit3A = arith.constant 0.000000e+00 : f32
    %jit3A_14 = arith.constant 3.276700e+04 : f32
    %max3A = vector.broadcast %jit3A : f32 to vector<256x4096xf32>
    %max3A_15 = arith.maximumf %max3A, %mul3A_13 : vector<256x4096xf32>
    %min3A = vector.broadcast %jit3A_14 : f32 to vector<256x4096xf32>
    %min3A_16 = arith.minimumf %min3A, %max3A_15 : vector<256x4096xf32>
    %convert_element_type3A_17 = arith.fptosi %min3A_16 : vector<256x4096xf32> to vector<256x4096xi32>
    %swap3A = arith.constant 0 : index
    %swap3A_18 = arith.constant 0 : index
    %swap3A_19 = vector.load %arg2[%swap3A, %swap3A_18] : memref<256x4096xi32, #tpu.memory_space<vmem>>, vector<256x4096xi32>
    tpu.vector_store %arg2[%swap3A, %swap3A_18], %convert_element_type3A_17 {strides = array<i32>} : memref<256x4096xi32, #tpu.memory_space<vmem>>, vector<256x4096xi32>,
    return
  }
  func.func @transform_0(%arg0: i32) -> (i32, i32) {
    %c0_i32 = arith.constant 0 : i32
    %c0_i32_0 = arith.constant 0 : i32
    %c0_i32_1 = arith.constant 0 : i32
    return %c0_i32, %c0_i32_0 : i32, i32
  }
  func.func @transform_1(%arg0: i32) -> (i32, i32) {
    %c0_i32 = arith.constant 0 : i32
    %c0_i32_0 = arith.constant 0 : i32
    return %arg0, %c0_i32 : i32, i32
  }
}

module attributes {stable_mosaic.version = 14 : i64} {
  func.func @_tcb_body(%arg0: i32, %arg1: memref<4096x128xf32, #tpu.memory_space<vmem>>, %arg2: memref<4096x128xf32, #tpu.memory_space<vmem>>, %arg3: memref<256x128xf32, #tpu.memory_space<vmem>>, %arg4: memref<4096x128xf32, #tpu.memory_space<vmem>>, %arg5: memref<256x1xf32, #tpu.memory_space<vmem>>, %arg6: memref<8x128xf32, #tpu.memory_space<vmem>>, %arg7: memref<4096x128xf32, #tpu.memory_space<vmem>>, %arg8: memref<4096x128xf32, #tpu.memory_space<vmem>>) attributes {dimension_semantics = [#tpu.dimension_semantics<arbitrary>], iteration_bounds = array<i64: 16>, scalar_prefetch = 0 : i64, scratch_operands = 2 : i64, tpu.core_type = #tpu.core_type<tc>, window_params = [{pipeline_mode = #tpu.pipeline_mode<synchronous>, transform_indices = @transform_0, window_bounds = array<i64: 4096, 128>}, {pipeline_mode = #tpu.pipeline_mode<synchronous>, transform_indices = @transform_1, window_bounds = array<i64: 4096, 128>}, {transform_indices = @transform_2, window_bounds = array<i64: 256, 128>}, {pipeline_mode = #tpu.pipeline_mode<synchronous>, transform_indices = @transform_3, window_bounds = array<i64: 4096, 128>}, {transform_indices = @transform_4, window_bounds = array<i64: 256, 1>}, {pipeline_mode = #tpu.pipeline_mode<synchronous>, transform_indices = @transform_5, window_bounds = array<i64: 8, 128>}]} {
    %eq3A = arith.constant 0 : i32
    %eq3A_0 = arith.cmpi eq, %arg0, %eq3A : i32
    %convert_element_type3A = arith.extui %eq3A_0 : i1 to i32
    %cond3A = arith.constant 0 : i32
    %cond3A_1 = arith.cmpi ne, %convert_element_type3A, %cond3A : i32
    scf.if %cond3A_1 {
      %get3A_266 = arith.constant 0 : index
      %get3A_267 = arith.constant 0 : index
      %get3A_268 = vector.load %arg1[%get3A_266, %get3A_267] : memref<4096x128xf32, #tpu.memory_space<vmem>>, vector<4096x128xf32>
      %get3A_269 = arith.constant 0 : index
      %get3A_270 = arith.constant 0 : index
      %get3A_271 = vector.load %arg2[%get3A_269, %get3A_270] : memref<4096x128xf32, #tpu.memory_space<vmem>>, vector<4096x128xf32>
      %mul3A_272 = arith.mulf %get3A_268, %get3A_268 : vector<4096x128xf32>
      %reduce_sum3A_273 = arith.constant dense<0.000000e+00> : vector<4096xf32>
      %reduce_sum3A_274 = vector.multi_reduction <add>, %mul3A_272, %reduce_sum3A_273 [1] : vector<4096x128xf32> to vector<4096xf32>
      %broadcast_in_dim3A_275 = vector.shape_cast %reduce_sum3A_274 : vector<4096xf32> to vector<4096x1xf32>
      %max3A = arith.constant 9.99999996E-13 : f32
      %max3A_276 = vector.broadcast %max3A : f32 to vector<4096x1xf32>
      %max3A_277 = arith.maximumf %broadcast_in_dim3A_275, %max3A_276 : vector<4096x1xf32>
      %rsqrt3A = math.rsqrt %max3A_277 : vector<4096x1xf32>
      %mul3A_278 = arith.mulf %get3A_271, %get3A_271 : vector<4096x128xf32>
      %reduce_sum3A_279 = arith.constant dense<0.000000e+00> : vector<4096xf32>
      %reduce_sum3A_280 = vector.multi_reduction <add>, %mul3A_278, %reduce_sum3A_279 [1] : vector<4096x128xf32> to vector<4096xf32>
      %broadcast_in_dim3A_281 = vector.shape_cast %reduce_sum3A_280 : vector<4096xf32> to vector<4096x1xf32>
      %max3A_282 = arith.constant 9.99999996E-13 : f32
      %max3A_283 = vector.broadcast %max3A_282 : f32 to vector<4096x1xf32>
      %max3A_284 = arith.maximumf %broadcast_in_dim3A_281, %max3A_283 : vector<4096x1xf32>
      %rsqrt3A_285 = math.rsqrt %max3A_284 : vector<4096x1xf32>
      %mul3A_286 = vector.broadcast %rsqrt3A : vector<4096x1xf32> to vector<4096x128xf32>
      %mul3A_287 = arith.mulf %get3A_268, %mul3A_286 : vector<4096x128xf32>
      %swap3A_288 = arith.constant 0 : index
      %swap3A_289 = arith.constant 0 : index
      %swap3A_290 = vector.load %arg7[%swap3A_288, %swap3A_289] : memref<4096x128xf32, #tpu.memory_space<vmem>>, vector<4096x128xf32>
      tpu.vector_store %arg7[%swap3A_288, %swap3A_289], %mul3A_287 {strides = array<i32>} : memref<4096x128xf32, #tpu.memory_space<vmem>>, vector<4096x128xf32>,
      %mul3A_291 = vector.broadcast %rsqrt3A_285 : vector<4096x1xf32> to vector<4096x128xf32>
      %mul3A_292 = arith.mulf %get3A_271, %mul3A_291 : vector<4096x128xf32>
      %swap3A_293 = arith.constant 0 : index
      %swap3A_294 = arith.constant 0 : index
      %swap3A_295 = vector.load %arg8[%swap3A_293, %swap3A_294] : memref<4096x128xf32, #tpu.memory_space<vmem>>, vector<4096x128xf32>
      tpu.vector_store %arg8[%swap3A_293, %swap3A_294], %mul3A_292 {strides = array<i32>} : memref<4096x128xf32, #tpu.memory_space<vmem>>, vector<4096x128xf32>,
    } else {
    }
    %get3A = arith.constant 0 : index
    %get3A_2 = arith.constant 0 : index
    %get3A_3 = vector.load %arg7[%get3A, %get3A_2] : memref<4096x128xf32, #tpu.memory_space<vmem>>, vector<4096x128xf32>
    %get3A_4 = arith.constant 0 : index
    %get3A_5 = arith.constant 0 : index
    %get3A_6 = vector.load %arg8[%get3A_4, %get3A_5] : memref<4096x128xf32, #tpu.memory_space<vmem>>, vector<4096x128xf32>
    %mul3A = arith.constant 256 : i32
    %mul3A_7 = arith.muli %arg0, %mul3A : i32
    %get3A_8 = arith.index_cast %mul3A_7 : i32 to index
    %get3A_9 = arith.constant 0 : index
    %get3A_10 = vector.load %arg7[%get3A_8, %get3A_9] : memref<4096x128xf32, #tpu.memory_space<vmem>>, vector<256x128xf32>
    %mul3A_11 = arith.constant 256 : i32
    %mul3A_12 = arith.muli %arg0, %mul3A_11 : i32
    %get3A_13 = arith.index_cast %mul3A_12 : i32 to index
    %get3A_14 = arith.constant 0 : index
    %get3A_15 = vector.load %arg8[%get3A_13, %get3A_14] : memref<4096x128xf32, #tpu.memory_space<vmem>>, vector<256x128xf32>
    %get3A_16 = arith.constant 0 : index
    %get3A_17 = arith.constant 0 : index
    %get3A_18 = vector.load %arg3[%get3A_16, %get3A_17] : memref<256x128xf32, #tpu.memory_space<vmem>>, vector<256x128xf32>
    %get3A_19 = arith.constant 0 : index
    %get3A_20 = arith.constant 0 : index
    %get3A_21 = vector.load %arg4[%get3A_19, %get3A_20] : memref<4096x128xf32, #tpu.memory_space<vmem>>, vector<4096x128xf32>
    %dot_general3A = arith.constant dense<0.000000e+00> : vector<256x4096xf32>
    %dot_general3A_22 = tpu.matmul %get3A_10, %get3A_3, %dot_general3A {dimension_numbers = #tpu.dot_dimension_numbers<[1], [1], [0], [0], [0, 0, 1, 0], [], []>, transpose_lhs_hint = false} : vector<256x128xf32>, vector<4096x128xf32>, vector<256x4096xf32> -> vector<256x4096xf32>
    %dot_general3A_23 = arith.constant dense<0.000000e+00> : vector<256x4096xf32>
    %dot_general3A_24 = tpu.matmul %get3A_15, %get3A_6, %dot_general3A_23 {dimension_numbers = #tpu.dot_dimension_numbers<[1], [1], [0], [0], [0, 0, 1, 0], [], []>, transpose_lhs_hint = false} : vector<256x128xf32>, vector<4096x128xf32>, vector<256x4096xf32> -> vector<256x4096xf32>
    %dot_general3A_25 = arith.constant dense<0.000000e+00> : vector<256x4096xf32>
    %dot_general3A_26 = tpu.matmul %get3A_10, %get3A_6, %dot_general3A_25 {dimension_numbers = #tpu.dot_dimension_numbers<[1], [1], [0], [0], [0, 0, 1, 0], [], []>, transpose_lhs_hint = false} : vector<256x128xf32>, vector<4096x128xf32>, vector<256x4096xf32> -> vector<256x4096xf32>
    %dot_general3A_27 = arith.constant dense<0.000000e+00> : vector<256x4096xf32>
    %dot_general3A_28 = tpu.matmul %get3A_15, %get3A_3, %dot_general3A_27 {dimension_numbers = #tpu.dot_dimension_numbers<[1], [1], [0], [0], [0, 0, 1, 0], [], []>, transpose_lhs_hint = false} : vector<256x128xf32>, vector<4096x128xf32>, vector<256x4096xf32> -> vector<256x4096xf32>
    %broadcast_in_dim3A = arith.constant 1.000000e+00 : f32
    %broadcast_in_dim3A_29 = vector.broadcast %broadcast_in_dim3A : f32 to vector<1x4096xf32>
    %get3A_30 = arith.constant 0 : index
    %get3A_31 = arith.constant 0 : index
    %get3A_32 = vector.load %arg5[%get3A_30, %get3A_31] : memref<256x1xf32, #tpu.memory_space<vmem>>, vector<256x1xf32>
    %sub3A = arith.constant 9.99999974E-5 : f32
    %sub3A_33 = vector.broadcast %sub3A : f32 to vector<256x1xf32>
    %sub3A_34 = arith.subf %get3A_32, %sub3A_33 : vector<256x1xf32>
    %add3A = arith.constant 8.200000e-03 : f32
    %add3A_35 = vector.broadcast %add3A : f32 to vector<256x1xf32>
    %add3A_36 = arith.addf %sub3A_34, %add3A_35 : vector<256x1xf32>
    %add3A_37 = arith.addf %sub3A_34, %add3A_36 : vector<256x1xf32>
    %mul3A_38 = arith.constant 5.000000e-01 : f32
    %mul3A_39 = vector.broadcast %mul3A_38 : f32 to vector<256x1xf32>
    %mul3A_40 = arith.mulf %add3A_37, %mul3A_39 : vector<256x1xf32>
    %ge3A = vector.broadcast %mul3A_40 : vector<256x1xf32> to vector<256x4096xf32>
    %ge3A_41 = arith.cmpf oge, %dot_general3A_22, %ge3A : vector<256x4096xf32>
    %jit3A = arith.constant 1.000000e+00 : f32
    %jit3A_42 = arith.constant 0.000000e+00 : f32
    %broadcast_in_dim3A_43 = vector.broadcast %jit3A : f32 to vector<256x4096xf32>
    %broadcast_in_dim3A_44 = vector.broadcast %jit3A_42 : f32 to vector<256x4096xf32>
    %select_n3A = arith.select %ge3A_41, %broadcast_in_dim3A_43, %broadcast_in_dim3A_44 : vector<256x4096xi1>, vector<256x4096xf32>
    %dot_general3A_45 = arith.constant dense<0.000000e+00> : vector<256x1xf32>
    %dot_general3A_46 = tpu.matmul %select_n3A, %broadcast_in_dim3A_29, %dot_general3A_45 {dimension_numbers = #tpu.dot_dimension_numbers<[1], [1], [0], [0], [0, 0, 1, 0], [], []>, transpose_lhs_hint = false} : vector<256x4096xf32>, vector<1x4096xf32>, vector<256x1xf32> -> vector<256x1xf32>
    %ge3A_47 = arith.constant 3.300000e+01 : f32
    %ge3A_48 = vector.broadcast %ge3A_47 : f32 to vector<256x1xf32>
    %ge3A_49 = arith.cmpf oge, %dot_general3A_46, %ge3A_48 : vector<256x1xf32>
    %select_n3A_50 = arith.select %ge3A_49, %mul3A_40, %sub3A_34 : vector<256x1xi1>, vector<256x1xf32>
    %select_n3A_51 = arith.select %ge3A_49, %add3A_36, %mul3A_40 : vector<256x1xi1>, vector<256x1xf32>
    %add3A_52 = arith.addf %select_n3A_50, %select_n3A_51 : vector<256x1xf32>
    %mul3A_53 = arith.constant 5.000000e-01 : f32
    %mul3A_54 = vector.broadcast %mul3A_53 : f32 to vector<256x1xf32>
    %mul3A_55 = arith.mulf %add3A_52, %mul3A_54 : vector<256x1xf32>
    %ge3A_56 = vector.broadcast %mul3A_55 : vector<256x1xf32> to vector<256x4096xf32>
    %ge3A_57 = arith.cmpf oge, %dot_general3A_22, %ge3A_56 : vector<256x4096xf32>
    %jit3A_58 = arith.constant 1.000000e+00 : f32
    %jit3A_59 = arith.constant 0.000000e+00 : f32
    %broadcast_in_dim3A_60 = vector.broadcast %jit3A_58 : f32 to vector<256x4096xf32>
    %broadcast_in_dim3A_61 = vector.broadcast %jit3A_59 : f32 to vector<256x4096xf32>
    %select_n3A_62 = arith.select %ge3A_57, %broadcast_in_dim3A_60, %broadcast_in_dim3A_61 : vector<256x4096xi1>, vector<256x4096xf32>
    %dot_general3A_63 = arith.constant dense<0.000000e+00> : vector<256x1xf32>
    %dot_general3A_64 = tpu.matmul %select_n3A_62, %broadcast_in_dim3A_29, %dot_general3A_63 {dimension_numbers = #tpu.dot_dimension_numbers<[1], [1], [0], [0], [0, 0, 1, 0], [], []>, transpose_lhs_hint = false} : vector<256x4096xf32>, vector<1x4096xf32>, vector<256x1xf32> -> vector<256x1xf32>
    %ge3A_65 = arith.constant 3.300000e+01 : f32
    %ge3A_66 = vector.broadcast %ge3A_65 : f32 to vector<256x1xf32>
    %ge3A_67 = arith.cmpf oge, %dot_general3A_64, %ge3A_66 : vector<256x1xf32>
    %select_n3A_68 = arith.select %ge3A_67, %mul3A_55, %select_n3A_50 : vector<256x1xi1>, vector<256x1xf32>
    %select_n3A_69 = arith.select %ge3A_67, %select_n3A_51, %mul3A_55 : vector<256x1xi1>, vector<256x1xf32>
    %add3A_70 = arith.addf %select_n3A_68, %select_n3A_69 : vector<256x1xf32>
    %mul3A_71 = arith.constant 5.000000e-01 : f32
    %mul3A_72 = vector.broadcast %mul3A_71 : f32 to vector<256x1xf32>
    %mul3A_73 = arith.mulf %add3A_70, %mul3A_72 : vector<256x1xf32>
    %ge3A_74 = vector.broadcast %mul3A_73 : vector<256x1xf32> to vector<256x4096xf32>
    %ge3A_75 = arith.cmpf oge, %dot_general3A_22, %ge3A_74 : vector<256x4096xf32>
    %jit3A_76 = arith.constant 1.000000e+00 : f32
    %jit3A_77 = arith.constant 0.000000e+00 : f32
    %broadcast_in_dim3A_78 = vector.broadcast %jit3A_76 : f32 to vector<256x4096xf32>
    %broadcast_in_dim3A_79 = vector.broadcast %jit3A_77 : f32 to vector<256x4096xf32>
    %select_n3A_80 = arith.select %ge3A_75, %broadcast_in_dim3A_78, %broadcast_in_dim3A_79 : vector<256x4096xi1>, vector<256x4096xf32>
    %dot_general3A_81 = arith.constant dense<0.000000e+00> : vector<256x1xf32>
    %dot_general3A_82 = tpu.matmul %select_n3A_80, %broadcast_in_dim3A_29, %dot_general3A_81 {dimension_numbers = #tpu.dot_dimension_numbers<[1], [1], [0], [0], [0, 0, 1, 0], [], []>, transpose_lhs_hint = false} : vector<256x4096xf32>, vector<1x4096xf32>, vector<256x1xf32> -> vector<256x1xf32>
    %ge3A_83 = arith.constant 3.300000e+01 : f32
    %ge3A_84 = vector.broadcast %ge3A_83 : f32 to vector<256x1xf32>
    %ge3A_85 = arith.cmpf oge, %dot_general3A_82, %ge3A_84 : vector<256x1xf32>
    %select_n3A_86 = arith.select %ge3A_85, %mul3A_73, %select_n3A_68 : vector<256x1xi1>, vector<256x1xf32>
    %select_n3A_87 = arith.select %ge3A_85, %select_n3A_69, %mul3A_73 : vector<256x1xi1>, vector<256x1xf32>
    %add3A_88 = arith.addf %select_n3A_86, %select_n3A_87 : vector<256x1xf32>
    %mul3A_89 = arith.constant 5.000000e-01 : f32
    %mul3A_90 = vector.broadcast %mul3A_89 : f32 to vector<256x1xf32>
    %mul3A_91 = arith.mulf %add3A_88, %mul3A_90 : vector<256x1xf32>
    %ge3A_92 = vector.broadcast %mul3A_91 : vector<256x1xf32> to vector<256x4096xf32>
    %ge3A_93 = arith.cmpf oge, %dot_general3A_22, %ge3A_92 : vector<256x4096xf32>
    %jit3A_94 = arith.constant 1.000000e+00 : f32
    %jit3A_95 = arith.constant 0.000000e+00 : f32
    %broadcast_in_dim3A_96 = vector.broadcast %jit3A_94 : f32 to vector<256x4096xf32>
    %broadcast_in_dim3A_97 = vector.broadcast %jit3A_95 : f32 to vector<256x4096xf32>
    %select_n3A_98 = arith.select %ge3A_93, %broadcast_in_dim3A_96, %broadcast_in_dim3A_97 : vector<256x4096xi1>, vector<256x4096xf32>
    %dot_general3A_99 = arith.constant dense<0.000000e+00> : vector<256x1xf32>
    %dot_general3A_100 = tpu.matmul %select_n3A_98, %broadcast_in_dim3A_29, %dot_general3A_99 {dimension_numbers = #tpu.dot_dimension_numbers<[1], [1], [0], [0], [0, 0, 1, 0], [], []>, transpose_lhs_hint = false} : vector<256x4096xf32>, vector<1x4096xf32>, vector<256x1xf32> -> vector<256x1xf32>
    %ge3A_101 = arith.constant 3.300000e+01 : f32
    %ge3A_102 = vector.broadcast %ge3A_101 : f32 to vector<256x1xf32>
    %ge3A_103 = arith.cmpf oge, %dot_general3A_100, %ge3A_102 : vector<256x1xf32>
    %select_n3A_104 = arith.select %ge3A_103, %mul3A_91, %select_n3A_86 : vector<256x1xi1>, vector<256x1xf32>
    %select_n3A_105 = arith.select %ge3A_103, %select_n3A_87, %mul3A_91 : vector<256x1xi1>, vector<256x1xf32>
    %add3A_106 = arith.addf %select_n3A_104, %select_n3A_105 : vector<256x1xf32>
    %mul3A_107 = arith.constant 5.000000e-01 : f32
    %mul3A_108 = vector.broadcast %mul3A_107 : f32 to vector<256x1xf32>
    %mul3A_109 = arith.mulf %add3A_106, %mul3A_108 : vector<256x1xf32>
    %ge3A_110 = vector.broadcast %mul3A_109 : vector<256x1xf32> to vector<256x4096xf32>
    %ge3A_111 = arith.cmpf oge, %dot_general3A_22, %ge3A_110 : vector<256x4096xf32>
    %jit3A_112 = arith.constant 1.000000e+00 : f32
    %jit3A_113 = arith.constant 0.000000e+00 : f32
    %broadcast_in_dim3A_114 = vector.broadcast %jit3A_112 : f32 to vector<256x4096xf32>
    %broadcast_in_dim3A_115 = vector.broadcast %jit3A_113 : f32 to vector<256x4096xf32>
    %select_n3A_116 = arith.select %ge3A_111, %broadcast_in_dim3A_114, %broadcast_in_dim3A_115 : vector<256x4096xi1>, vector<256x4096xf32>
    %dot_general3A_117 = arith.constant dense<0.000000e+00> : vector<256x1xf32>
    %dot_general3A_118 = tpu.matmul %select_n3A_116, %broadcast_in_dim3A_29, %dot_general3A_117 {dimension_numbers = #tpu.dot_dimension_numbers<[1], [1], [0], [0], [0, 0, 1, 0], [], []>, transpose_lhs_hint = false} : vector<256x4096xf32>, vector<1x4096xf32>, vector<256x1xf32> -> vector<256x1xf32>
    %ge3A_119 = arith.constant 3.300000e+01 : f32
    %ge3A_120 = vector.broadcast %ge3A_119 : f32 to vector<256x1xf32>
    %ge3A_121 = arith.cmpf oge, %dot_general3A_118, %ge3A_120 : vector<256x1xf32>
    %select_n3A_122 = arith.select %ge3A_121, %mul3A_109, %select_n3A_104 : vector<256x1xi1>, vector<256x1xf32>
    %select_n3A_123 = arith.select %ge3A_121, %select_n3A_105, %mul3A_109 : vector<256x1xi1>, vector<256x1xf32>
    %add3A_124 = arith.addf %select_n3A_122, %select_n3A_123 : vector<256x1xf32>
    %mul3A_125 = arith.constant 5.000000e-01 : f32
    %mul3A_126 = vector.broadcast %mul3A_125 : f32 to vector<256x1xf32>
    %mul3A_127 = arith.mulf %add3A_124, %mul3A_126 : vector<256x1xf32>
    %ge3A_128 = vector.broadcast %mul3A_127 : vector<256x1xf32> to vector<256x4096xf32>
    %ge3A_129 = arith.cmpf oge, %dot_general3A_22, %ge3A_128 : vector<256x4096xf32>
    %jit3A_130 = arith.constant 1.000000e+00 : f32
    %jit3A_131 = arith.constant 0.000000e+00 : f32
    %broadcast_in_dim3A_132 = vector.broadcast %jit3A_130 : f32 to vector<256x4096xf32>
    %broadcast_in_dim3A_133 = vector.broadcast %jit3A_131 : f32 to vector<256x4096xf32>
    %select_n3A_134 = arith.select %ge3A_129, %broadcast_in_dim3A_132, %broadcast_in_dim3A_133 : vector<256x4096xi1>, vector<256x4096xf32>
    %dot_general3A_135 = arith.constant dense<0.000000e+00> : vector<256x1xf32>
    %dot_general3A_136 = tpu.matmul %select_n3A_134, %broadcast_in_dim3A_29, %dot_general3A_135 {dimension_numbers = #tpu.dot_dimension_numbers<[1], [1], [0], [0], [0, 0, 1, 0], [], []>, transpose_lhs_hint = false} : vector<256x4096xf32>, vector<1x4096xf32>, vector<256x1xf32> -> vector<256x1xf32>
    %ge3A_137 = arith.constant 3.300000e+01 : f32
    %ge3A_138 = vector.broadcast %ge3A_137 : f32 to vector<256x1xf32>
    %ge3A_139 = arith.cmpf oge, %dot_general3A_136, %ge3A_138 : vector<256x1xf32>
    %select_n3A_140 = arith.select %ge3A_139, %mul3A_127, %select_n3A_122 : vector<256x1xi1>, vector<256x1xf32>
    %ge3A_141 = vector.broadcast %select_n3A_140 : vector<256x1xf32> to vector<256x4096xf32>
    %ge3A_142 = arith.cmpf oge, %dot_general3A_22, %ge3A_141 : vector<256x4096xf32>
    %jit3A_143 = arith.constant 1.000000e+00 : f32
    %jit3A_144 = arith.constant 0.000000e+00 : f32
    %broadcast_in_dim3A_145 = vector.broadcast %jit3A_143 : f32 to vector<256x4096xf32>
    %broadcast_in_dim3A_146 = vector.broadcast %jit3A_144 : f32 to vector<256x4096xf32>
    %select_n3A_147 = arith.select %ge3A_142, %broadcast_in_dim3A_145, %broadcast_in_dim3A_146 : vector<256x4096xi1>, vector<256x4096xf32>
    %mul3A_148 = arith.constant 256 : i32
    %mul3A_149 = arith.muli %arg0, %mul3A_148 : i32
    %iota3A = tpu.iota {dimensions = array<i32: 0>} : vector<256x4096xi32>
    %add3A_150 = vector.broadcast %mul3A_149 : i32 to vector<256x4096xi32>
    %add3A_151 = arith.addi %add3A_150, %iota3A : vector<256x4096xi32>
    %iota3A_152 = tpu.iota {dimensions = array<i32: 1>} : vector<256x4096xi32>
    %dot_general3A_153 = arith.constant dense<0.000000e+00> : vector<256x4096xf32>
    %dot_general3A_154 = tpu.matmul %get3A_18, %get3A_21, %dot_general3A_153 {dimension_numbers = #tpu.dot_dimension_numbers<[1], [1], [0], [0], [0, 0, 1, 0], [], []>, transpose_lhs_hint = false} : vector<256x128xf32>, vector<4096x128xf32>, vector<256x4096xf32> -> vector<256x4096xf32>
    %eq3A_155 = arith.cmpi eq, %iota3A_152, %add3A_151 : vector<256x4096xi32>
    %gt3A = arith.constant 5.000000e-01 : f32
    %gt3A_156 = vector.broadcast %gt3A : f32 to vector<256x4096xf32>
    %gt3A_157 = arith.cmpf ogt, %dot_general3A_154, %gt3A_156 : vector<256x4096xf32>
    %jit3A_158 = arith.constant 1.000000e+00 : f32
    %jit3A_159 = arith.constant 0.000000e+00 : f32
    %broadcast_in_dim3A_160 = vector.broadcast %jit3A_158 : f32 to vector<256x4096xf32>
    %broadcast_in_dim3A_161 = vector.broadcast %jit3A_159 : f32 to vector<256x4096xf32>
    %select_n3A_162 = arith.select %gt3A_157, %broadcast_in_dim3A_160, %broadcast_in_dim3A_161 : vector<256x4096xi1>, vector<256x4096xf32>
    %jit3A_163 = arith.constant 1.000000e+00 : f32
    %broadcast_in_dim3A_164 = vector.broadcast %jit3A_163 : f32 to vector<256x4096xf32>
    %select_n3A_165 = arith.select %eq3A_155, %broadcast_in_dim3A_164, %select_n3A_162 : vector<256x4096xi1>, vector<256x4096xf32>
    %mul3A_166 = arith.mulf %select_n3A_165, %select_n3A_147 : vector<256x4096xf32>
    %mul3A_167 = arith.mulf %get3A_10, %get3A_10 : vector<256x128xf32>
    %reduce_sum3A = arith.constant dense<0.000000e+00> : vector<256xf32>
    %reduce_sum3A_168 = vector.multi_reduction <add>, %mul3A_167, %reduce_sum3A [1] : vector<256x128xf32> to vector<256xf32>
    %broadcast_in_dim3A_169 = vector.shape_cast %reduce_sum3A_168 : vector<256xf32> to vector<256x1xf32>
    %mul3A_170 = arith.mulf %get3A_15, %get3A_15 : vector<256x128xf32>
    %reduce_sum3A_171 = arith.constant dense<0.000000e+00> : vector<256xf32>
    %reduce_sum3A_172 = vector.multi_reduction <add>, %mul3A_170, %reduce_sum3A_171 [1] : vector<256x128xf32> to vector<256xf32>
    %broadcast_in_dim3A_173 = vector.shape_cast %reduce_sum3A_172 : vector<256xf32> to vector<256x1xf32>
    %mul3A_174 = arith.constant 2.000000e+00 : f32
    %mul3A_175 = vector.broadcast %mul3A_174 : f32 to vector<256x4096xf32>
    %mul3A_176 = arith.mulf %mul3A_175, %dot_general3A_22 : vector<256x4096xf32>
    %exp3A = math.exp %mul3A_176 : vector<256x4096xf32>
    %mul3A_177 = arith.constant 2.000000e+00 : f32
    %mul3A_178 = vector.broadcast %mul3A_177 : f32 to vector<256x4096xf32>
    %mul3A_179 = arith.mulf %mul3A_178, %dot_general3A_26 : vector<256x4096xf32>
    %exp3A_180 = math.exp %mul3A_179 : vector<256x4096xf32>
    %mul3A_181 = arith.constant 2.000000e+00 : f32
    %mul3A_182 = vector.broadcast %mul3A_181 : f32 to vector<256x4096xf32>
    %mul3A_183 = arith.mulf %mul3A_182, %dot_general3A_24 : vector<256x4096xf32>
    %exp3A_184 = math.exp %mul3A_183 : vector<256x4096xf32>
    %mul3A_185 = arith.constant 2.000000e+00 : f32
    %mul3A_186 = vector.broadcast %mul3A_185 : f32 to vector<256x4096xf32>
    %mul3A_187 = arith.mulf %mul3A_186, %dot_general3A_28 : vector<256x4096xf32>
    %exp3A_188 = math.exp %mul3A_187 : vector<256x4096xf32>
    %add3A_189 = arith.addf %exp3A, %exp3A_180 : vector<256x4096xf32>
    %mul3A_190 = arith.mulf %select_n3A_147, %add3A_189 : vector<256x4096xf32>
    %dot_general3A_191 = arith.constant dense<0.000000e+00> : vector<256x1xf32>
    %dot_general3A_192 = tpu.matmul %mul3A_190, %broadcast_in_dim3A_29, %dot_general3A_191 {dimension_numbers = #tpu.dot_dimension_numbers<[1], [1], [0], [0], [0, 0, 1, 0], [], []>, transpose_lhs_hint = false} : vector<256x4096xf32>, vector<1x4096xf32>, vector<256x1xf32> -> vector<256x1xf32>
    %mul3A_193 = arith.constant 2.000000e+00 : f32
    %mul3A_194 = vector.broadcast %mul3A_193 : f32 to vector<256x1xf32>
    %mul3A_195 = arith.mulf %mul3A_194, %broadcast_in_dim3A_169 : vector<256x1xf32>
    %exp3A_196 = math.exp %mul3A_195 : vector<256x1xf32>
    %sub3A_197 = arith.subf %dot_general3A_192, %exp3A_196 : vector<256x1xf32>
    %add3A_198 = arith.addf %exp3A_184, %exp3A_188 : vector<256x4096xf32>
    %mul3A_199 = arith.mulf %select_n3A_147, %add3A_198 : vector<256x4096xf32>
    %dot_general3A_200 = arith.constant dense<0.000000e+00> : vector<256x1xf32>
    %dot_general3A_201 = tpu.matmul %mul3A_199, %broadcast_in_dim3A_29, %dot_general3A_200 {dimension_numbers = #tpu.dot_dimension_numbers<[1], [1], [0], [0], [0, 0, 1, 0], [], []>, transpose_lhs_hint = false} : vector<256x4096xf32>, vector<1x4096xf32>, vector<256x1xf32> -> vector<256x1xf32>
    %mul3A_202 = arith.constant 2.000000e+00 : f32
    %mul3A_203 = vector.broadcast %mul3A_202 : f32 to vector<256x1xf32>
    %mul3A_204 = arith.mulf %mul3A_203, %broadcast_in_dim3A_173 : vector<256x1xf32>
    %exp3A_205 = math.exp %mul3A_204 : vector<256x1xf32>
    %sub3A_206 = arith.subf %dot_general3A_201, %exp3A_205 : vector<256x1xf32>
    %add3A_207 = arith.addf %dot_general3A_22, %dot_general3A_26 : vector<256x4096xf32>
    %mul3A_208 = arith.mulf %mul3A_166, %add3A_207 : vector<256x4096xf32>
    %dot_general3A_209 = arith.constant dense<0.000000e+00> : vector<256x1xf32>
    %dot_general3A_210 = tpu.matmul %mul3A_208, %broadcast_in_dim3A_29, %dot_general3A_209 {dimension_numbers = #tpu.dot_dimension_numbers<[1], [1], [0], [0], [0, 0, 1, 0], [], []>, transpose_lhs_hint = false} : vector<256x4096xf32>, vector<1x4096xf32>, vector<256x1xf32> -> vector<256x1xf32>
    %sub3A_211 = arith.subf %dot_general3A_210, %broadcast_in_dim3A_169 : vector<256x1xf32>
    %mul3A_212 = arith.constant 2.000000e+00 : f32
    %mul3A_213 = vector.broadcast %mul3A_212 : f32 to vector<256x1xf32>
    %mul3A_214 = arith.mulf %mul3A_213, %sub3A_211 : vector<256x1xf32>
    %add3A_215 = arith.addf %dot_general3A_24, %dot_general3A_28 : vector<256x4096xf32>
    %mul3A_216 = arith.mulf %mul3A_166, %add3A_215 : vector<256x4096xf32>
    %dot_general3A_217 = arith.constant dense<0.000000e+00> : vector<256x1xf32>
    %dot_general3A_218 = tpu.matmul %mul3A_216, %broadcast_in_dim3A_29, %dot_general3A_217 {dimension_numbers = #tpu.dot_dimension_numbers<[1], [1], [0], [0], [0, 0, 1, 0], [], []>, transpose_lhs_hint = false} : vector<256x4096xf32>, vector<1x4096xf32>, vector<256x1xf32> -> vector<256x1xf32>
    %sub3A_219 = arith.subf %dot_general3A_218, %broadcast_in_dim3A_173 : vector<256x1xf32>
    %mul3A_220 = arith.constant 2.000000e+00 : f32
    %mul3A_221 = vector.broadcast %mul3A_220 : f32 to vector<256x1xf32>
    %mul3A_222 = arith.mulf %mul3A_221, %sub3A_219 : vector<256x1xf32>
    %dot_general3A_223 = arith.constant dense<0.000000e+00> : vector<256x1xf32>
    %dot_general3A_224 = tpu.matmul %mul3A_166, %broadcast_in_dim3A_29, %dot_general3A_223 {dimension_numbers = #tpu.dot_dimension_numbers<[1], [1], [0], [0], [0, 0, 1, 0], [], []>, transpose_lhs_hint = false} : vector<256x4096xf32>, vector<1x4096xf32>, vector<256x1xf32> -> vector<256x1xf32>
    %mul3A_225 = arith.constant 2.000000e+00 : f32
    %mul3A_226 = vector.broadcast %mul3A_225 : f32 to vector<256x1xf32>
    %mul3A_227 = arith.mulf %mul3A_226, %dot_general3A_224 : vector<256x1xf32>
    %sub3A_228 = arith.constant 1.000000e+00 : f32
    %sub3A_229 = vector.broadcast %sub3A_228 : f32 to vector<256x1xf32>
    %sub3A_230 = arith.subf %mul3A_227, %sub3A_229 : vector<256x1xf32>
    %add3A_231 = arith.addf %mul3A_214, %mul3A_222 : vector<256x1xf32>
    %div3A = arith.divf %add3A_231, %sub3A_230 : vector<256x1xf32>
    %log3A = math.log %sub3A_197 : vector<256x1xf32>
    %sub3A_232 = arith.subf %div3A, %log3A : vector<256x1xf32>
    %log3A_233 = math.log %sub3A_206 : vector<256x1xf32>
    %sub3A_234 = arith.subf %sub3A_232, %log3A_233 : vector<256x1xf32>
    %reduce_sum3A_235 = vector.shape_cast %sub3A_234 : vector<256x1xf32> to vector<1x256x1xf32>
    %reduce_sum3A_236 = arith.constant dense<0.000000e+00> : vector<1xf32>
    %reduce_sum3A_237 = vector.multi_reduction <add>, %reduce_sum3A_235, %reduce_sum3A_236 [1, 2] : vector<1x256x1xf32> to vector<1xf32>
    %reduce_sum3A_238 = vector.shape_cast %reduce_sum3A_237 : vector<1xf32> to vector<1x1x1xf32>
    %reduce_sum3A_239 = vector.extract %reduce_sum3A_238[0, 0, 0] : f32 from vector<1x1x1xf32>
    %eq3A_240 = arith.constant 0 : i32
    %eq3A_241 = arith.cmpi eq, %arg0, %eq3A_240 : i32
    %convert_element_type3A_242 = arith.extui %eq3A_241 : i1 to i32
    %cond3A_243 = arith.constant 0 : i32
    %cond3A_244 = arith.cmpi ne, %convert_element_type3A_242, %cond3A_243 : i32
    scf.if %cond3A_244 {
      %broadcast_in_dim3A_266 = arith.constant 0.000000e+00 : f32
      %broadcast_in_dim3A_267 = vector.broadcast %broadcast_in_dim3A_266 : f32 to vector<8x128xf32>
      %swap3A_268 = arith.constant 0 : index
      %swap3A_269 = arith.constant 0 : index
      %swap3A_270 = vector.load %arg6[%swap3A_268, %swap3A_269] : memref<8x128xf32, #tpu.memory_space<vmem>>, vector<8x128xf32>
      tpu.vector_store %arg6[%swap3A_268, %swap3A_269], %broadcast_in_dim3A_267 {strides = array<i32>} : memref<8x128xf32, #tpu.memory_space<vmem>>, vector<8x128xf32>,
    } else {
    }
    %iota3A_245 = tpu.iota {dimensions = array<i32: 0>} : vector<8x128xi32>
    %iota3A_246 = tpu.iota {dimensions = array<i32: 1>} : vector<8x128xi32>
    %eq3A_247 = arith.constant 0 : i32
    %eq3A_248 = vector.broadcast %eq3A_247 : i32 to vector<8x128xi32>
    %eq3A_249 = arith.cmpi eq, %iota3A_245, %eq3A_248 : vector<8x128xi32>
    %eq3A_250 = arith.constant 0 : i32
    %eq3A_251 = vector.broadcast %eq3A_250 : i32 to vector<8x128xi32>
    %eq3A_252 = arith.cmpi eq, %iota3A_246, %eq3A_251 : vector<8x128xi32>
    %and3A = arith.andi %eq3A_249, %eq3A_252 : vector<8x128xi1>
    %jit3A_253 = arith.constant 1.000000e+00 : f32
    %jit3A_254 = arith.constant 0.000000e+00 : f32
    %broadcast_in_dim3A_255 = vector.broadcast %jit3A_253 : f32 to vector<8x128xf32>
    %broadcast_in_dim3A_256 = vector.broadcast %jit3A_254 : f32 to vector<8x128xf32>
    %select_n3A_257 = arith.select %and3A, %broadcast_in_dim3A_255, %broadcast_in_dim3A_256 : vector<8x128xi1>, vector<8x128xf32>
    %get3A_258 = arith.constant 0 : index
    %get3A_259 = arith.constant 0 : index
    %get3A_260 = vector.load %arg6[%get3A_258, %get3A_259] : memref<8x128xf32, #tpu.memory_space<vmem>>, vector<8x128xf32>
    %mul3A_261 = vector.broadcast %reduce_sum3A_239 : f32 to vector<8x128xf32>
    %mul3A_262 = arith.mulf %mul3A_261, %select_n3A_257 : vector<8x128xf32>
    %add3A_263 = arith.addf %get3A_260, %mul3A_262 : vector<8x128xf32>
    %swap3A = arith.constant 0 : index
    %swap3A_264 = arith.constant 0 : index
    %swap3A_265 = vector.load %arg6[%swap3A, %swap3A_264] : memref<8x128xf32, #tpu.memory_space<vmem>>, vector<8x128xf32>
    tpu.vector_store %arg6[%swap3A, %swap3A_264], %add3A_263 {strides = array<i32>} : memref<8x128xf32, #tpu.memory_space<vmem>>, vector<8x128xf32>,
    return
  }
  func.func @transform_0(%arg0: i32) -> (i32, i32) {
    %c0_i32 = arith.constant 0 : i32
    %c0_i32_0 = arith.constant 0 : i32
    %c0_i32_1 = arith.constant 0 : i32
    return %c0_i32, %c0_i32_0 : i32, i32
  }
  func.func @transform_1(%arg0: i32) -> (i32, i32) {
    %c0_i32 = arith.constant 0 : i32
    %c0_i32_0 = arith.constant 0 : i32
    %c0_i32_1 = arith.constant 0 : i32
    return %c0_i32, %c0_i32_0 : i32, i32
  }
  func.func @transform_2(%arg0: i32) -> (i32, i32) {
    %c0_i32 = arith.constant 0 : i32
    %c0_i32_0 = arith.constant 0 : i32
    return %arg0, %c0_i32 : i32, i32
  }
  func.func @transform_3(%arg0: i32) -> (i32, i32) {
    %c0_i32 = arith.constant 0 : i32
    %c0_i32_0 = arith.constant 0 : i32
    %c0_i32_1 = arith.constant 0 : i32
    return %c0_i32, %c0_i32_0 : i32, i32
  }
  func.func @transform_4(%arg0: i32) -> (i32, i32) {
    %c0_i32 = arith.constant 0 : i32
    %c0_i32_0 = arith.constant 0 : i32
    return %arg0, %c0_i32 : i32, i32
  }
  func.func @transform_5(%arg0: i32) -> (i32, i32) {
    %c0_i32 = arith.constant 0 : i32
    %c0_i32_0 = arith.constant 0 : i32
    %c0_i32_1 = arith.constant 0 : i32
    return %c0_i32, %c0_i32_0 : i32, i32
  }
}

</mosaic_0001>

<sc_bundles>
// kernel: kernel.5.cloned.1.call-start
scs
__scs_entry_jumppad:
0x0: {  	(pc) =	sbr.rel $0x88, $3  }
0x1: {  	(tag) =	ssettag $0x0;
	lr =	simm.s32 $0x1  }
0x2: {  	[smem:$0x3F9E] =	sst lr;
	_ =	strace $0xD0000000  }
0x3: {  	_ = 	snop  }
0x4: {  	_ = 	snop  }
0x5: {  	_ = 	snop  }
0x6: {  	_ = 	snop  }
0x7: {  	_ = 	snop  }
__scs_overlays_trampoline_lowered:
0x8: {  	[smem:$0x3FAD] =	sst s0  }
0x9: {  	[smem:$0x3FAE] =	sst s1  }
0xa: {  	[smem:$0x3FAF] =	sst s2  }
0xb: {  	[smem:$0x3FB0] =	sst s3  }
0xc: {  	[smem:$0x3FB1] =	sst s4  }
0xd: {  	[smem:$0x3FB2] =	sst s5  }
0xe: {  	[smem:$0x3FB3] =	sst s6  }
0xf: {  	[smem:$0x3FB4] =	sst s7  }
0x10: {  	[smem:$0x3FB5] =	sst s8  }
0x11: {  	[smem:$0x3FB6] =	sst s9;
	s0 =	simm.s32 @!p0 $0x0  }
0x12: {  	s1 =	sld [smem:$0x3F9C];
	s0 =	simm.s32 @p0 $0x1  }
0x13: {  	[smem:$0x3FB7] =	sst s0;
	s0 =	simm.s32 @!p1 $0x0  }
0x14: {  	s2 =	sld [smem:$0x3F9B];
	s0 =	simm.s32 @p1 $0x1  }
0x15: {  	[smem:$0x3FB8] =	sst s0;
	s0 =	simm.s32 @!p2 $0x0  }
0x16: {  	s3 =	sld [smem:$0x3FDB];
	s0 =	simm.s32 @p2 $0x1  }
0x17: {  	s4 =	simm.s32 $0x1BF5;
	[smem:$0x3FBA] =	sst s0  }
0x18: {  	s0 =	sld [smem:$0x3F9D];
	_ =	swait.ge [sflag:s4], $0x0  }
0x19: {  	s7 =	sld [smem:$0x3F9E]  }
0x1a: {  	s8 =	sadd.s32 $0xFFFFE003, lr  }
0x1b: {  	s9 =	sadd.s32 $0xFFFFFEF7, lr;
	s5 =	simm.s32 $0xFFFFFFFF;
	p2 =	slt.u32 s8, $0xFFFFF086  }
0x1c: {  	p1 =	slt.u32 s9, $0xF7A;
	s5 =	simm.s32 @!p2 $0x0  }
0x1d: {  	s5 =	simm.s32 @p1 $0x1;
	p0 =	seq.s32 s7, s2  }
0x1e: {  	s7 =	smul.u32 @!p0 $0xF7A, s2;
	p2 =	seq.s32 @!p0 s5, $0x0  }
0x1f: {  	s9 =	smul.u32 $0xF7A, s1;
	s8 =	simm.s32 @!p0 $0x1BF5;
	p2 =	por !p2, p0  }
0x20: {  	[sflag:s8] =	ssyncset.s32 @!p0 $0xFFFFF086;
	s6 =	sadd.s32 @!p0 s3, s7;
	s7 =	simm.s32 @!p0 $0x108  }
0x21: {  	s3 =	sadd.s32 s3, s9;
	s6 =	sadd.s32 @!p0 $0x88, s6;
	s7 =	simm.s32 @p2 $0x1082  }
0x22: {  	[simem:s7], [sflag:s8] =	dma.local @!p0 [hbm:s6], $0xF7A  }
0x23: {  	s9 =	sor.u32 $0xD0000000, s2;
	s6 =	simm.s32 $0x108;
	_ =	swait.ge @!p0 [sflag:s8], $0x0  }
0x24: {  	s3 =	sadd.s32 $0x88, s3;
	s6 =	simm.s32 @!p1 $0x1082;
	[sflag:s4] =	ssyncset.s32 $0xFFFFF086  }
0x25: {  	[simem:s6], [sflag:s4] =	dma.local [hbm:s3], $0xF7A  }
0x26: {  	[smem:$0x3F9E] =	sst s1;
	(tag) =	ssettag s2;
	_ =	strace s9  }
0x27: {  	s1 =	sld [smem:$0x3FAE]  }
0x28: {  	s2 =	sld [smem:$0x3FAF]  }
0x29: {  	s4 =	sld [smem:$0x3FB1]  }
0x2a: {  	p0 =	seq.s32 s5, $0x0;
	s5 =	sld [smem:$0x3FB2]  }
0x2b: {  	s6 =	sld [smem:$0x3FB3]  }
0x2c: {  	s7 =	sld [smem:$0x3FB4]  }
0x2d: {  	s3 =	simm.s32 $0x108;
	s8 =	sld [smem:$0x3FB5]  }
0x2e: {  	s3 =	simm.s32 @!p0 $0x1082;
	s9 =	sld [smem:$0x3FB6]  }
0x2f: {  	lr =	sadd.s32 s0, s3;
	s0 =	sld [smem:$0x3FAD]  }
0x30: {  	s3 =	sld [smem:$0x3FB0]  }
0x31: {  	[smem:$0x3FB9] =	sst s10  }
0x32: {  	s10 =	sld [smem:$0x3FB7];
	_ =	sdelay $0x3  }
0x33: {  	p0 =	seq.s32 s10, $0x1;
	s10 =	sld [smem:$0x3FB9];
	_ =	sdelay $0x3  }
0x34: {  	[smem:$0x3FB9] =	sst s10  }
0x35: {  	s10 =	sld [smem:$0x3FB8];
	_ =	sdelay $0x3  }
0x36: {  	p1 =	seq.s32 s10, $0x1;
	s10 =	sld [smem:$0x3FB9];
	_ =	sdelay $0x3  }
0x37: {  	[smem:$0x3FB9] =	sst s10  }
0x38: {  	s10 =	sld [smem:$0x3FBA]  }
0x39: {  	_ = 	snop;
	(pc) =	sbr.ind lr, $3  }
0x3a: {  	_ = 	snop  }
0x3b: {  	_ = 	snop  }
0x3c: {  	p2 =	seq.s32 s10, $0x1;
	s10 =	sld [smem:$0x3FB9]  }
0x3d: {  	_ =	shalt  }
0x3e: {  	_ =	shalt  }
0x3f: {  	_ =	shalt  }
0x40: {  	_ =	shalt  }
0x41: {  	_ =	shalt  }
0x42: {  	_ =	shalt  }
0x43: {  	_ =	shalt  }
0x44: {  	_ =	shalt  }
0x45: {  	_ =	shalt  }
0x46: {  	_ =	shalt  }
0x47: {  	_ =	shalt  }
0x48: {  	_ =	shalt  }
0x49: {  	_ =	shalt  }
0x4a: {  	_ =	shalt  }
0x4b: {  	_ =	shalt  }
0x4c: {  	_ =	shalt  }
0x4d: {  	_ =	shalt  }
0x4e: {  	_ =	shalt  }
0x4f: {  	_ =	shalt  }
0x50: {  	_ =	shalt  }
0x51: {  	_ =	shalt  }
0x52: {  	_ =	shalt  }
0x53: {  	_ =	shalt  }
0x54: {  	_ =	shalt  }
0x55: {  	_ =	shalt  }
0x56: {  	_ =	shalt  }
0x57: {  	_ =	shalt  }
0x58: {  	_ =	shalt  }
0x59: {  	_ =	shalt  }
0x5a: {  	_ =	shalt  }
0x5b: {  	_ =	shalt  }
0x5c: {  	_ =	shalt  }
0x5d: {  	_ =	shalt  }
0x5e: {  	_ =	shalt  }
0x5f: {  	_ =	shalt  }
0x60: {  	_ =	shalt  }
0x61: {  	_ =	shalt  }
0x62: {  	_ =	shalt  }
0x63: {  	_ =	shalt  }
0x64: {  	_ =	shalt  }
0x65: {  	_ =	shalt  }
0x66: {  	_ =	shalt  }
0x67: {  	_ =	shalt  }
0x68: {  	_ =	shalt  }
0x69: {  	_ =	shalt  }
0x6a: {  	_ =	shalt  }
0x6b: {  	_ =	shalt  }
0x6c: {  	_ =	shalt  }
0x6d: {  	_ =	shalt  }
0x6e: {  	_ =	shalt  }
0x6f: {  	_ =	shalt  }
0x70: {  	_ =	shalt  }
0x71: {  	_ =	shalt  }
0x72: {  	_ =	shalt  }
0x73: {  	_ =	shalt  }
0x74: {  	_ =	shalt  }
0x75: {  	_ =	shalt  }
0x76: {  	_ =	shalt  }
0x77: {  	_ =	shalt  }
0x78: {  	_ =	shalt  }
0x79: {  	_ =	shalt  }
0x7a: {  	_ =	shalt  }
0x7b: {  	_ =	shalt  }
0x7c: {  	_ =	shalt  }
0x7d: {  	_ =	shalt  }
0x7e: {  	_ =	shalt  }
0x7f: {  	_ =	shalt  }
0x80: {  	_ =	shalt  }
0x81: {  	_ =	shalt  }
0x82: {  	_ =	shalt  }
0x83: {  	_ =	shalt  }
0x84: {  	_ =	shalt  }
0x85: {  	_ =	shalt  }
0x86: {  	_ =	shalt  }
0x87: {  	_ =	shalt  }
.Lfunc_end0:
.L_simem_size_0:
called_computation_lowered:
.L_overlay_start_0:
0x88: {  	s2 =	sld [smem:$0x3FD9]  }
0x89: {  	s3 =	sld [smem:$0x3FFE];
	_ =	sdelay $0x1  }
0x8a: {  	s1 =	srdreg.scid  }
0x8b: {  	s0 =	sand.u32 $0x1, s1  }
0x8c: {  	s16 =	sshll.u32 s0, $0xA;
	s2 =	sadd.s32 s3, s2  }
0x8d: {  	s2 =	sadd.s32 s2, s16  }
0x8e: {  	[smem:$0x3FC5] =	sst s2  }
0x8f: {  	_ = 	snop  }
0x90: {  	(tm) =	ssettm $0x1  }
0x91: {  	s17 =	sld [smem:$0x3FFB];
	_ =	sdelay $0x3  }
0x92: {  	_ =	strace s17  }
0x93: {  	s2 =	sld [smem:$0x3FFC];
	_ =	sdelay $0x3  }
0x94: {  	_ =	strace s2  }
0x95: {  	s2 =	sld [smem:$0x3FFD];
	_ =	sdelay $0x3  }
0x96: {  	_ =	strace s2  }
0x97: {  	_ =	strace $0x8FFFFFFF  }
0x98: {  	s18 =	sld [smem:$0x3FDB];
	_ =	sdelay $0x1  }
0x99: {  	s19 =	simm.s32 $_scs_section_size  }
0x9a: {  	s4 =	simm.s32 $_size__tile_overlayer_lowered;
	s5 =	simm.s32 $_tile_overlayer_lowered  }
0x9b: {  	s22 =	simm.s32 $0x1BFF;
	s21 =	sshll.u32 s5, $0x1;
	s2 =	sadd.s32 s19, s18  }
0x9c: {  	s6 =	simm.s32 $0x0;
	s20 =	sshll.u32 s4, $0x1;
	s4 =	sadd.s32 s21, s2  }
0x9d: {  	[timem:s6], [sflag:s22] =	dma.local [hbm:s4], s20  }
0x9e: {  	_ =	swait.ge [sflag:s22], s20  }
0x9f: {  	s3 =	ssub.s32 $0x0, s20;
	[sflag:s22] =	ssyncset.done $0x0  }
0xa0: {  	[sflag:s22] =	ssyncadd.s32 s3;
	_ =	sdelay $0x1  }
0xa1: {  	s23 =	simm.s32 $0x1B8B  }
0xa2: {  	_ =	swait.ge [sflag:s23], $0x1  }
0xa3: {  	[sflag:s23] =	ssyncset.done $0x0  }
0xa4: {  	s25 =	simm.s32 $0x1B8E;
	s24 =	sld [smem:$0x3FFE];
	[sflag:s23] =	ssyncadd.s32 $0xFFFFFFFF  }
0xa5: {  	s26 =	simm.s32 $execute0_lowered;
	[smem:$0x3FD2] =	sst s25  }
0xa6: {  	s4 =	sshll.u32 s26, $0x1;
	_ =	strace $0x80000046;
	[dreg:$0x1] =	wrdreg $0xFFFFFFFF  }
0xa7: {  	s28 =	simm.s32 $_size_execute0_lowered;
	s2 =	sadd.s32 s2, s4;
	[dreg:$0x0] =	wrdreg $0x0  }
0xa8: {  	s4 =	sshll.u32 s28, $0x1;
	[dreg:$0x2] =	wrdreg s2  }
0xa9: {  	[dreg:$0x3] =	wrdreg s4  }
0xaa: {  	[dreg:$0x4] =	wrdreg $0xC0  }
0xab: {  	_ =	task [dreg:s6], $0x5FFFF  }
0xac: {  	[dreg:$0x1] =	wrdreg $0xFFFFFFFF  }
0xad: {  	[dreg:$0x0] =	wrdreg $0x60  }
0xae: {  	[dreg:$0x2] =	wrdreg s24  }
0xaf: {  	[dreg:$0x3] =	wrdreg $0x9  }
0xb0: {  	_ =	task.clear_ibuf [dreg:s6], $0x4FFFF;
	_ =	strace $0x90000046  }
0xb1: {  	s29 =	simm.s32 $0x9;
	_ =	strace $0x80000048  }
0xb2: {  	_ =	swait.ge [sflag:s29], $0x1  }
0xb3: {  	[sflag:s29] =	ssyncadd.s32 $0xFFFFFFFF  }
0xb4: {  	_ =	strace $0x90000048  }
0xb5: {  	_ =	sfence  }
0xb6: {  	s30 =	sld [smem:$0x0];
	_ =	sdelay $0x2  }
0xb7: {  	s31 =	sshll.u32 s1, $0xD;
	s1 =	sshrl.u32 s1, $0x2  }
0xb8: {  	s3 =	sand.u32 $0x4000, s31;
	s1 =	sadd.s32 s1, s30  }
0xb9: {  	s0 =	sor.u32 s3, s0;
	s1 =	sshll.u32 s1, $0x11  }
0xba: {  	s0 =	sor.u32 s1, s0  }
0xbb: {  	s0 =	sadd.s32 $0x8F2B, s0  }
0xbc: {  	[sflag:s0] =	ssyncadd.remote.s32 $0x1  }
0xbd: {  	_ =	sfence.sel $0xFFFF  }
0xbe: {  	[dreg:$0x0] =	wrdreg $0xFFFFFFFF;
	(pc) =	sbr.abs _section_cstart, $3  }
0xbf: {  	[dreg:$0x1] =	wrdreg $0xFFFFFFFF  }
0xc0: {  	_ =	task.clear_ibuf [dreg:s6], $0x2FFFF;
	_ =	strace $0x9FFFFFFF  }
0xc1: {  	(tm) =	ssettm $0x7FFFFFFF  }
tec
execute0_lowered:
.L_overlay_start_1:
0x0: {  	(tag) =	ssettag $0x1  }
0x1: {  	s3 =	rddreg [dreg:$0x0]  }
0x2: {  	s0 =	rddreg [dreg:$0x1]  }
0x3: {  	s2 =	simm.s32 $0x0;
	s4 =	srdreg.scid;
	s1 =	stileid.u32  }
0x4: {  	s8 =	simm.s32 $0x1;
	s9 =	simm.s32 $0x1000;
	s10 =	simm.s32 $0x2000  }
0x5: {  	[smem:$0x7FF] =	sst s2;
	s4 =	sand.u32 $0x1, s4;
	s5 =	sshll.u32 s1, $0x1  }
0x6: {  	v1 =	vlaneseq.u32;
	s11 =	simm.s32 $0x0;
	_ =	strace $0x80000047;
	s5 =	sor.u32 s4, s5  }
0x7: {  	v3 =	vmul.u32 $0xFFFFFFFF, v1;
	s4 =	ssub.s32 $0x2, s4;
	s6 =	sshll.u32 s5, $0x10;
	s5 =	sshll.u32 s5, $0x4  }
0x8: {  	s7 =	sshrl.u32 s4, $0x1;
	s6 =	sadd.s32 s6, s3;
	s5 =	sadd.s32 s5, s3  }
0x9: {  	v3 =	vadd.s32 $0xF, v3;
	s7 =	ssub.s32 s4, s7;
	s3 =	sadd.s32 $0xA00, s6;
	s4 =	sadd.s32 $0x200A00, s5  }
0xa: {  	v0 =	vimm.s32 $0x0;
	v2 =	vimm.s32 $0x1;
	v1 =	vmul.u32 $0x100, v1;
	[tilespmem:$0x1FFF0] =	vst v3;
	s5 =	smax.u32 s7, $0x1;
	s6 =	simm.s32 $0x80;
	s7 =	simm.s32 $0x400  }
.LBB2_1:
0xb: {  	s12 =	simm.s32 $0x0  }
.LBB2_2:
0xc: {  	s13 =	sshll.u32 s12, $0x9  }
0xd: {  	s14 =	sshll.u32 s12, $0x4;
	s13 =	sand.u32 $0xF000, s13  }
0xe: {  	s14 =	sand.u32 $0x70, s14;
	s13 =	sadd.s32 s13, s3  }
0xf: {  	s31 =	simm.s32 $0x0;
	s13 =	sadd.s32 s14, s13  }
0x10: {  	[tilespmem:s31], [sflag:$0x1] =	stream.strided.gather [hbm4b:s13+s6], $0x1000, s7, s6, $0x38;
	[tilespmem:$0x2080] =	vst v63  }
0x11: {  	_ =	swait.ge [sflag:s8], $0x1000  }
0x12: {  	[sflag:s8] =	ssyncset.done $0x0  }
0x13: {  	s14 =	simm.s32 $0x0;
	s13 =	simm.s32 $0x40;
	[sflag:s8] =	ssyncadd.s32 $0xFFFFF000  }
.LBB2_3:
0x14: {  	p0 =	sne.s32 s13, $0x3FC0;
	[tilespmem:s14+$0x1000] =	vst v0;
	s14 =	smov.u32 s13;
	s13 =	sadd.s32 $0x40, s13  }
.Ltmp0:
0x15: {  	(pc) =	sbr.rel @p0 .LBB2_3-.Ltmp0, $2  }
0x16: {  	_ =	sdelay $0x2  }
0x17: {  	s14 =	sshra.s32 s14, $0x2  }
0x18: {  	[tilespmem:s14+$0x1000] =	vst v0;
	s14 =	simm.s32 $0x0;
	s13 =	simm.s32 $0x40  }
.LBB2_5:
0x19: {  	p0 =	sne.s32 s13, $0x3FC0;
	v3 =	vld [tilespmem:s14+$0x0];
	_ =	sdelay $0x4  }
0x1a: {  	v3 =	vshrl.u32 v3, $0x7  }
0x1b: {  	v4 =	vadd.s32 v1, v3  }
0x1c: {  	v3 =	vand.u32 $0x7F, v3;
	v4 =	vand.u32 $0x3FFFF80, v4  }
0x1d: {  	v3 =	vor.u32 v3, v4  }
.Ltmp1:
0x1e: {  	(pc) =	sbr.rel @p0 .LBB2_5-.Ltmp1, $2  }
0x1f: {  	_ =	sdelay $0x2  }
0x20: {  	s14 =	sshra.s32 s13, $0x2;
	s13 =	sadd.s32 $0x40, s13;
	[tilespmem:v3+s9+$0x0] =	vst.idx.add.s32.msk $0xffff, v2  }
0x21: {  	v3 =	vld [tilespmem:s14+$0x0];
	_ =	sdelay $0x4  }
0x22: {  	v3 =	vshrl.u32 v3, $0x7  }
0x23: {  	v4 =	vadd.s32 v1, v3  }
0x24: {  	v3 =	vand.u32 $0x7F, v3;
	v4 =	vand.u32 $0x3FFFF80, v4  }
0x25: {  	v3 =	vor.u32 v3, v4;
	_ =	sdelay $0x4  }
0x26: {  	[tilespmem:v3+s9+$0x0] =	vst.idx.add.s32.msk $0xffff, v2  }
0x27: {  	v3 =	vld [tilespmem:$0x1F00];
	_ =	sdelay $0x4  }
0x28: {  	[tilespmem:$0x1F7E0] =	vst v3;
	v3 =	vld [tilespmem:$0x1B10]  }
0x29: {  	v12 =	vld [tilespmem:$0x1000]  }
0x2a: {  	v9 =	vld [tilespmem:$0x1100]  }
0x2b: {  	v10 =	vld [tilespmem:$0x1200]  }
0x2c: {  	v13 =	vld [tilespmem:$0x1300]  }
0x2d: {  	[tilespmem:$0x1F7F0] =	vst v3;
	v3 =	vld [tilespmem:$0x1C10]  }
0x2e: {  	v15 =	vld [tilespmem:$0x1400]  }
0x2f: {  	v17 =	vld [tilespmem:$0x1500]  }
0x30: {  	v21 =	vld [tilespmem:$0x1600]  }
0x31: {  	v27 =	vld [tilespmem:$0x1700]  }
0x32: {  	[tilespmem:$0x1F800] =	vst v3;
	v3 =	vld [tilespmem:$0x1D10]  }
0x33: {  	v30 =	vld [tilespmem:$0x1800]  }
0x34: {  	v35 =	vld [tilespmem:$0x1900]  }
0x35: {  	v38 =	vld [tilespmem:$0x1A00]  }
0x36: {  	v43 =	vld [tilespmem:$0x1B00]  }
0x37: {  	[tilespmem:$0x1F810] =	vst v3;
	v3 =	vld [tilespmem:$0x1E10]  }
0x38: {  	v49 =	vld [tilespmem:$0x1C00]  }
0x39: {  	v57 =	vld [tilespmem:$0x1D00]  }
0x3a: {  	v63 =	vld [tilespmem:$0x1E00]  }
0x3b: {  	v8 =	vld [tilespmem:$0x1010]  }
0x3c: {  	[tilespmem:$0x1F830] =	vst v3;
	v3 =	vld [tilespmem:$0x1F10]  }
0x3d: {  	v7 =	vld [tilespmem:$0x1110]  }
0x3e: {  	v11 =	vld [tilespmem:$0x1210]  }
0x3f: {  	v16 =	vld [tilespmem:$0x1310]  }
0x40: {  	v22 =	vld [tilespmem:$0x1410]  }
0x41: {  	[tilespmem:$0x1F850] =	vst v3;
	v3 =	vld [tilespmem:$0x1620]  }
0x42: {  	v28 =	vld [tilespmem:$0x1510]  }
0x43: {  	v34 =	vld [tilespmem:$0x1610]  }
0x44: {  	v39 =	vld [tilespmem:$0x1710]  }
0x45: {  	v44 =	vld [tilespmem:$0x1810]  }
0x46: {  	[tilespmem:$0x1F820] =	vst v3;
	v3 =	vld [tilespmem:$0x1720]  }
0x47: {  	v48 =	vld [tilespmem:$0x1910]  }
0x48: {  	v59 =	vld [tilespmem:$0x1A10]  }
0x49: {  	v24 =	vld [tilespmem:$0x1020]  }
0x4a: {  	v23 =	vld [tilespmem:$0x1120]  }
0x4b: {  	[tilespmem:$0x1F840] =	vst v3;
	v3 =	vld [tilespmem:$0x1820]  }
0x4c: {  	v29 =	vld [tilespmem:$0x1220]  }
0x4d: {  	v36 =	vld [tilespmem:$0x1320]  }
0x4e: {  	v45 =	vld [tilespmem:$0x1420]  }
0x4f: {  	v51 =	vld [tilespmem:$0x1520]  }
0x50: {  	[tilespmem:$0x1F860] =	vst v3;
	v3 =	vld [tilespmem:$0x1920]  }
0x51: {  	v4 =	vld [tilespmem:$0x1030]  }
0x52: {  	v5 =	vld [tilespmem:$0x1230]  }
0x53: {  	v6 =	vld [tilespmem:$0x1330]  }
0x54: {  	v14 =	vld [tilespmem:$0x1430]  }
0x55: {  	[tilespmem:$0x1F870] =	vst v3;
	v3 =	vld [tilespmem:$0x1A20]  }
0x56: {  	v18 =	vld [tilespmem:$0x1530]  }
0x57: {  	v33 =	vld [tilespmem:$0x1630]  }
0x58: {  	v40 =	vld [tilespmem:$0x1730]  }
0x59: {  	v42 =	vld [tilespmem:$0x1830]  }
0x5a: {  	[tilespmem:$0x1F880] =	vst v3;
	v3 =	vld [tilespmem:$0x1B20]  }
0x5b: {  	v50 =	vld [tilespmem:$0x1930]  }
0x5c: {  	v19 =	vld [tilespmem:$0x1A30]  }
0x5d: {  	v54 =	vld [tilespmem:$0x1B30]  }
0x5e: {  	v55 =	vld [tilespmem:$0x1C30]  }
0x5f: {  	[tilespmem:$0x1F890] =	vst v3;
	v3 =	vld [tilespmem:$0x1C20]  }
0x60: {  	v56 =	vld [tilespmem:$0x1D30]  }
0x61: {  	v58 =	vld [tilespmem:$0x1E30]  }
0x62: {  	v60 =	vld [tilespmem:$0x1F30]  }
0x63: {  	v25 =	vld [tilespmem:$0x1040];
	[tilespmem:$0x1F8A0] =	vst v19  }
0x64: {  	[tilespmem:$0x1F8B0] =	vst v3;
	v3 =	vld [tilespmem:$0x1D20]  }
0x65: {  	v31 =	vld [tilespmem:$0x1240];
	[tilespmem:$0x1F8C0] =	vst v54  }
0x66: {  	v20 =	vld [tilespmem:$0x1640];
	[tilespmem:$0x1F8E0] =	vst v55  }
0x67: {  	v61 =	vld [tilespmem:$0x1740];
	[tilespmem:$0x1F900] =	vst v56  }
0x68: {  	v62 =	vld [tilespmem:$0x1840];
	[tilespmem:$0x1F930] =	vst v58  }
0x69: {  	[tilespmem:$0x1F8D0] =	vst v3;
	v3 =	vld [tilespmem:$0x1E20]  }
0x6a: {  	v26 =	vld [tilespmem:$0x1940];
	[tilespmem:$0x1F950] =	vst v60  }
0x6b: {  	v32 =	vld [tilespmem:$0x1A40];
	[tilespmem:$0x1F910] =	vst v20  }
0x6c: {  	v37 =	vld [tilespmem:$0x1B40];
	[tilespmem:$0x1F940] =	vst v61  }
0x6d: {  	v46 =	vld [tilespmem:$0x1C40];
	[tilespmem:$0x1F960] =	vst v62  }
0x6e: {  	[tilespmem:$0x1F8F0] =	vst v3;
	v3 =	vld [tilespmem:$0x1F20]  }
0x6f: {  	v41 =	vld [tilespmem:$0x1340];
	[tilespmem:$0x1F970] =	vst v26  }
0x70: {  	v47 =	vld [tilespmem:$0x1440];
	[tilespmem:$0x1F990] =	vst v32  }
0x71: {  	v52 =	vld [tilespmem:$0x1540];
	[tilespmem:$0x1F9B0] =	vst v37  }
0x72: {  	v19 =	vld [tilespmem:$0x1140];
	[tilespmem:$0x1F9D0] =	vst v46  }
0x73: {  	[tilespmem:$0x1F920] =	vst v3;
	v3 =	vld [tilespmem:$0x1130]  }
0x74: {  	v20 =	vld [tilespmem:$0x1D40]  }
0x75: {  	v62 =	vld [tilespmem:$0x1650];
	_ =	sdelay $0x4  }
0x76: {  	[tilespmem:$0x1FA00] =	vst v62;
	v62 =	vld [tilespmem:$0x1760];
	_ =	sdelay $0x4  }
0x77: {  	[tilespmem:$0x1FA60] =	vst v62;
	v62 =	vld [tilespmem:$0x1A60];
	_ =	sdelay $0x4  }
0x78: {  	[tilespmem:$0x1FAD0] =	vst v62;
	v62 =	vld [tilespmem:$0x1D60];
	_ =	sdelay $0x4  }
0x79: {  	[tilespmem:$0x1FB60] =	vst v62;
	v62 =	vld [tilespmem:$0x1370];
	_ =	sdelay $0x2  }
0x7a: {  	v53 =	vld [tilespmem:$0x1E40]  }
0x7b: {  	v54 =	vld [tilespmem:$0x1F40]  }
0x7c: {  	[tilespmem:$0x1FAE0] =	vst v62;
	v62 =	vld [tilespmem:$0x1470]  }
0x7d: {  	v60 =	vld [tilespmem:$0x1050]  }
0x7e: {  	v55 =	vld [tilespmem:$0x1250]  }
0x7f: {  	v56 =	vld [tilespmem:$0x1350]  }
0x80: {  	v58 =	vld [tilespmem:$0x1450]  }
0x81: {  	[tilespmem:$0x1FB10] =	vst v62;
	v62 =	vld [tilespmem:$0x1570]  }
0x82: {  	v61 =	vld [tilespmem:$0x1550]  }
0x83: {  	v26 =	vld [tilespmem:$0x1750]  }
0x84: {  	v32 =	vld [tilespmem:$0x1850]  }
0x85: {  	v37 =	vld [tilespmem:$0x1950]  }
0x86: {  	[tilespmem:$0x1FB40] =	vst v62;
	v62 =	vld [tilespmem:$0x1670]  }
0x87: {  	v9 =	vadd.s32 v12, v9;
	v46 =	vld [tilespmem:$0x1A50]  }
0x88: {  	v9 =	vadd.s32 v10, v9;
	v12 =	vld [tilespmem:$0x1CA0]  }
0x89: {  	v9 =	vadd.s32 v13, v9;
	v13 =	vld [tilespmem:$0x1DA0]  }
0x8a: {  	v9 =	vadd.s32 v15, v9;
	v15 =	vld [tilespmem:$0x1EA0]  }
0x8b: {  	[tilespmem:$0x1FB70] =	vst v62;
	v62 =	vld [tilespmem:$0x1770]  }
0x8c: {  	v7 =	vadd.s32 v8, v7;
	v9 =	vadd.s32 v17, v9;
	v17 =	vld [tilespmem:$0x1FA0]  }
0x8d: {  	v7 =	vadd.s32 v11, v7;
	v9 =	vadd.s32 v21, v9;
	v21 =	vld [tilespmem:$0x10B0]  }
0x8e: {  	v7 =	vadd.s32 v16, v7;
	v9 =	vadd.s32 v27, v9;
	v27 =	vld [tilespmem:$0x11B0]  }
0x8f: {  	v7 =	vadd.s32 v22, v7;
	v22 =	vld [tilespmem:$0x16B0]  }
0x90: {  	v7 =	vadd.s32 v28, v7;
	[tilespmem:$0x1FBA0] =	vst v62;
	v62 =	vld [tilespmem:$0x1870]  }
0x91: {  	v7 =	vadd.s32 v34, v7;
	v28 =	vld [tilespmem:$0x18B0]  }
0x92: {  	v7 =	vadd.s32 v39, v7;
	v9 =	vadd.s32 v30, v9;
	v30 =	vld [tilespmem:$0x1F7E0]  }
0x93: {  	v7 =	vadd.s32 v44, v7;
	v44 =	vld [tilespmem:$0x1BB0]  }
0x94: {  	v7 =	vadd.s32 v48, v7;
	v48 =	vld [tilespmem:$0x1F7F0]  }
0x95: {  	[tilespmem:$0x1FBC0] =	vst v62;
	v62 =	vld [tilespmem:$0x1970]  }
0x96: {  	v39 =	vadd.s32 v59, v7;
	v59 =	vld [tilespmem:$0x1CB0]  }
0x97: {  	v10 =	vld [tilespmem:$0x1F810]  }
0x98: {  	v11 =	vld [tilespmem:$0x1F820]  }
0x99: {  	v16 =	vld [tilespmem:$0x1F870]  }
0x9a: {  	[tilespmem:$0x1FBF0] =	vst v62;
	v62 =	vld [tilespmem:$0x1A70]  }
0x9b: {  	v34 =	vadd.s32 v24, v23;
	v23 =	vld [tilespmem:$0x1F8C0]  }
0x9c: {  	v24 =	vld [tilespmem:$0x1F8D0]  }
0x9d: {  	[tilespmem:$0x1FA10] =	vst v53;
	v53 =	vld [tilespmem:$0x1150]  }
0x9e: {  	[tilespmem:$0x1FA40] =	vst v54;
	v54 =	vld [tilespmem:$0x1B50]  }
0x9f: {  	[tilespmem:$0x1FC10] =	vst v62;
	v62 =	vld [tilespmem:$0x1B70]  }
0xa0: {  	[tilespmem:$0x1F980] =	vst v55;
	v55 =	vld [tilespmem:$0x1C50]  }
0xa1: {  	[tilespmem:$0x1F9A0] =	vst v56;
	v56 =	vld [tilespmem:$0x1D50]  }
0xa2: {  	[tilespmem:$0x1F9C0] =	vst v58;
	v58 =	vld [tilespmem:$0x1E50]  }
0xa3: {  	[tilespmem:$0x1F9E0] =	vst v61;
	v61 =	vld [tilespmem:$0x1F50]  }
0xa4: {  	[tilespmem:$0x1FC40] =	vst v62;
	v62 =	vld [tilespmem:$0x1C70]  }
0xa5: {  	[tilespmem:$0x1FA20] =	vst v26;
	v26 =	vld [tilespmem:$0x1060]  }
0xa6: {  	[tilespmem:$0x1F9F0] =	vst v20;
	v20 =	vld [tilespmem:$0x1160]  }
0xa7: {  	[tilespmem:$0x1FA50] =	vst v32;
	v32 =	vld [tilespmem:$0x1260]  }
0xa8: {  	[tilespmem:$0x1FA70] =	vst v37;
	v37 =	vld [tilespmem:$0x1360]  }
0xa9: {  	[tilespmem:$0x1FC70] =	vst v62;
	v62 =	vld [tilespmem:$0x1D70]  }
0xaa: {  	[tilespmem:$0x1FA90] =	vst v46;
	v46 =	vld [tilespmem:$0x1460]  }
0xab: {  	[tilespmem:$0x1FF20] =	vst v12;
	v12 =	vld [tilespmem:$0x12B0]  }
0xac: {  	[tilespmem:$0x1FF60] =	vst v15;
	v15 =	vld [tilespmem:$0x13B0]  }
0xad: {  	[tilespmem:$0x1FF80] =	vst v17;
	v17 =	vld [tilespmem:$0x14B0]  }
0xae: {  	[tilespmem:$0x1FCA0] =	vst v62;
	v62 =	vld [tilespmem:$0x1E70]  }
0xaf: {  	[tilespmem:$0x1FEB0] =	vst v21;
	v21 =	vld [tilespmem:$0x15B0]  }
0xb0: {  	[tilespmem:$0x1FEC0] =	vst v27;
	v27 =	vld [tilespmem:$0x17B0]  }
0xb1: {  	[tilespmem:$0x1FF40] =	vst v13;
	v13 =	vadd.s32 v35, v9;
	v35 =	vld [tilespmem:$0x19B0]  }
0xb2: {  	v9 =	vld [tilespmem:$0x1DB0]  }
0xb3: {  	[tilespmem:$0x1FCD0] =	vst v62;
	v62 =	vld [tilespmem:$0x1F70]  }
0xb4: {  	[tilespmem:$0x1FF50] =	vst v22;
	v22 =	vld [tilespmem:$0x1F8B0]  }
0xb5: {  	[tilespmem:$0x1FF90] =	vst v28;
	v28 =	vld [tilespmem:$0x1F900]  }
0xb6: {  	[tilespmem:$0x1FFC0] =	vst v44;
	v44 =	vld [tilespmem:$0x1F9D0]  }
0xb7: {  	v3 =	vadd.s32 v4, v3;
	v8 =	vadd.s32 v38, v13;
	v38 =	vld [tilespmem:$0x1AB0]  }
0xb8: {  	v3 =	vadd.s32 v5, v3;
	[tilespmem:$0x1FD00] =	vst v62;
	v62 =	vld [tilespmem:$0x1080]  }
0xb9: {  	v3 =	vadd.s32 v6, v3;
	v6 =	vld [tilespmem:$0x1EB0]  }
0xba: {  	v13 =	vld [tilespmem:$0x1F840]  }
0xbb: {  	v4 =	vadd.s32 v48, v39;
	v48 =	vld [tilespmem:$0x1FA00]  }
0xbc: {  	v3 =	vadd.s32 v14, v3;
	v14 =	vld [tilespmem:$0x1F850]  }
0xbd: {  	[tilespmem:$0x1FBD0] =	vst v62;
	v62 =	vld [tilespmem:$0x1180]  }
0xbe: {  	v3 =	vadd.s32 v18, v3;
	v18 =	vld [tilespmem:$0x1F880]  }
0xbf: {  	v3 =	vadd.s32 v33, v3;
	v33 =	vld [tilespmem:$0x1F940]  }
0xc0: {  	[tilespmem:$0x1FAC0] =	vst v54;
	v54 =	vld [tilespmem:$0x1560]  }
0xc1: {  	[tilespmem:$0x1FAF0] =	vst v55;
	v55 =	vld [tilespmem:$0x1660]  }
0xc2: {  	[tilespmem:$0x1FBE0] =	vst v62;
	v62 =	vld [tilespmem:$0x1280]  }
0xc3: {  	v8 =	vadd.s32 v43, v8;
	[tilespmem:$0x1FB50] =	vst v58;
	v58 =	vld [tilespmem:$0x1860]  }
0xc4: {  	v8 =	vadd.s32 v49, v8;
	[tilespmem:$0x1FB80] =	vst v61;
	v61 =	vld [tilespmem:$0x1960]  }
0xc5: {  	v8 =	vadd.s32 v57, v8;
	[tilespmem:$0x1FB20] =	vst v56;
	v56 =	vld [tilespmem:$0x1270]  }
0xc6: {  	v8 =	vadd.s32 v63, v8;
	v63 =	vld [tilespmem:$0x1F800]  }
0xc7: {  	[tilespmem:$0x1FC00] =	vst v62;
	v62 =	vld [tilespmem:$0x1380]  }
0xc8: {  	[tilespmem:$0x1FEE0] =	vst v12;
	v12 =	vld [tilespmem:$0x1F830]  }
0xc9: {  	[tilespmem:$0x1FF00] =	vst v15;
	v15 =	vld [tilespmem:$0x1F860]  }
0xca: {  	[tilespmem:$0x1FF10] =	vst v17;
	v17 =	vadd.s32 v25, v19;
	v19 =	vld [tilespmem:$0x1F890]  }
0xcb: {  	[tilespmem:$0x1FF30] =	vst v21;
	v21 =	vld [tilespmem:$0x1F8A0]  }
0xcc: {  	[tilespmem:$0x1FC20] =	vst v62;
	v62 =	vld [tilespmem:$0x1480]  }
0xcd: {  	v25 =	vld [tilespmem:$0x1F8E0]  }
0xce: {  	[tilespmem:$0x1FF70] =	vst v27;
	v27 =	vld [tilespmem:$0x1F8F0]  }
0xcf: {  	v39 =	vadd.s32 v26, v20;
	v20 =	vld [tilespmem:$0x19C0]  }
0xd0: {  	v3 =	vadd.s32 v40, v3;
	v40 =	vld [tilespmem:$0x1F990]  }
0xd1: {  	[tilespmem:$0x1FC50] =	vst v62;
	v62 =	vld [tilespmem:$0x1580]  }
0xd2: {  	v26 =	vld [tilespmem:$0x1EC0]  }
0xd3: {  	v57 =	vadd.s32 v30, v8;
	v8 =	vadd.s32 v29, v34;
	v29 =	vld [tilespmem:$0x1F910]  }
0xd4: {  	v30 =	vld [tilespmem:$0x1F920]  }
0xd5: {  	v34 =	vld [tilespmem:$0x1F950]  }
0xd6: {  	[tilespmem:$0x1FC80] =	vst v62;
	v62 =	vld [tilespmem:$0x1680]  }
0xd7: {  	[tilespmem:$0x1FFB0] =	vst v38;
	v38 =	vld [tilespmem:$0x1F980]  }
0xd8: {  	v3 =	vadd.s32 v42, v3;
	v42 =	vld [tilespmem:$0x1F9B0]  }
0xd9: {  	[tilespmem:$0x1FFA0] =	vst v35;
	v35 =	vadd.s32 v60, v53;
	v53 =	vld [tilespmem:$0x1FA60]  }
0xda: {  	v43 =	vadd.s32 v36, v8;
	v8 =	vld [tilespmem:$0x1FB0]  }
0xdb: {  	[tilespmem:$0x1FCB0] =	vst v62;
	v62 =	vld [tilespmem:$0x1780]  }
0xdc: {  	v36 =	vld [tilespmem:$0x1F970]  }
0xdd: {  	v3 =	vadd.s32 v50, v3;
	v50 =	vld [tilespmem:$0x1FA20]  }
0xde: {  	v49 =	vadd.s32 v45, v43;
	v43 =	vld [tilespmem:$0x1F9C0]  }
0xdf: {  	v45 =	vld [tilespmem:$0x1F9E0]  }
0xe0: {  	[tilespmem:$0x1FCE0] =	vst v62;
	v62 =	vld [tilespmem:$0x1880]  }
0xe1: {  	v5 =	vadd.s32 v51, v49;
	v49 =	vld [tilespmem:$0x1FA10]  }
0xe2: {  	[tilespmem:$0x1FA80] =	vst v58;
	v58 =	vld [tilespmem:$0x1B60]  }
0xe3: {  	[tilespmem:$0x1FAA0] =	vst v61;
	v61 =	vld [tilespmem:$0x1C60]  }
0xe4: {  	[tilespmem:$0x1FA30] =	vst v55;
	v55 =	vld [tilespmem:$0x1170]  }
0xe5: {  	[tilespmem:$0x1FD10] =	vst v62;
	v62 =	vld [tilespmem:$0x1980]  }
0xe6: {  	[tilespmem:$0x1FAB0] =	vst v56;
	v56 =	vld [tilespmem:$0x1190]  }
0xe7: {  	v5 =	vadd.s32 v11, v5;
	v11 =	vld [tilespmem:$0x11C0]  }
0xe8: {  	v4 =	vadd.s32 v63, v4;
	v3 =	vadd.s32 v21, v3;
	v21 =	vld [tilespmem:$0x18C0]  }
0xe9: {  	v4 =	vadd.s32 v10, v4;
	v10 =	vld [tilespmem:$0x10C0]  }
0xea: {  	[tilespmem:$0x1FD30] =	vst v62;
	v62 =	vld [tilespmem:$0x1A80]  }
0xeb: {  	v3 =	vadd.s32 v23, v3;
	v23 =	vld [tilespmem:$0x1BC0]  }
0xec: {  	v51 =	vld [tilespmem:$0x1FA30]  }
0xed: {  	v60 =	vld [tilespmem:$0x1FA80]  }
0xee: {  	v3 =	vadd.s32 v25, v3;
	v25 =	vld [tilespmem:$0x1DC0]  }
0xef: {  	v4 =	vadd.s32 v12, v4;
	[tilespmem:$0x1FD70] =	vst v62;
	v62 =	vld [tilespmem:$0x1B80]  }
0xf0: {  	[tilespmem:$0x1FFD0] =	vst v59;
	v5 =	vadd.s32 v13, v5;
	v59 =	vadd.s32 v14, v4;
	v14 =	vld [tilespmem:$0x12C0]  }
0xf1: {  	v4 =	vadd.s32 v15, v5;
	v15 =	vld [tilespmem:$0x13C0]  }
0xf2: {  	v5 =	vadd.s32 v31, v17;
	v17 =	vld [tilespmem:$0x15C0]  }
0xf3: {  	v31 =	vld [tilespmem:$0x1F930]  }
0xf4: {  	[tilespmem:$0x1FDA0] =	vst v62;
	v62 =	vld [tilespmem:$0x1C80]  }
0xf5: {  	v3 =	vadd.s32 v28, v3;
	v28 =	vld [tilespmem:$0x10D0]  }
0xf6: {  	v4 =	vadd.s32 v16, v4;
	v16 =	vld [tilespmem:$0x14C0]  }
0xf7: {  	v5 =	vadd.s32 v41, v5;
	v41 =	vld [tilespmem:$0x1F9A0]  }
0xf8: {  	[tilespmem:$0x1FB00] =	vst v58;
	v58 =	vld [tilespmem:$0x1E60]  }
0xf9: {  	[tilespmem:$0x1FDD0] =	vst v62;
	v62 =	vld [tilespmem:$0x1D80]  }
0xfa: {  	[tilespmem:$0x1FB30] =	vst v61;
	v61 =	vld [tilespmem:$0x1F60]  }
0xfb: {  	v4 =	vadd.s32 v18, v4;
	v18 =	vld [tilespmem:$0x16C0]  }
0xfc: {  	v5 =	vadd.s32 v47, v5;
	v47 =	vld [tilespmem:$0x1F9F0]  }
0xfd: {  	v4 =	vadd.s32 v19, v4;
	v19 =	vld [tilespmem:$0x17C0]  }
0xfe: {  	[tilespmem:$0x1FE00] =	vst v62;
	v62 =	vld [tilespmem:$0x1E80]  }
0xff: {  	v5 =	vadd.s32 v52, v5;
	v52 =	vld [tilespmem:$0x1FA40]  }
0x100: {  	v10 =	vadd.s32 v10, v11;
	v11 =	vld [tilespmem:$0x17E0]  }
0x101: {  	v4 =	vadd.s32 v22, v4;
	v22 =	vld [tilespmem:$0x1AC0]  }
0x102: {  	v5 =	vadd.s32 v29, v5;
	v29 =	vld [tilespmem:$0x1FA90]  }
0x103: {  	[tilespmem:$0x1FE30] =	vst v62;
	v62 =	vld [tilespmem:$0x1F80]  }
0x104: {  	v4 =	vadd.s32 v24, v4;
	v24 =	vld [tilespmem:$0x1CC0]  }
0x105: {  	v3 =	vadd.s32 v31, v3;
	v31 =	vld [tilespmem:$0x1FAB0]  }
0x106: {  	[tilespmem:$0x1FFE0] =	vst v9;
	v9 =	vadd.s32 v34, v3;
	v3 =	vld [tilespmem:$0x1F960]  }
0x107: {  	v4 =	vadd.s32 v27, v4;
	v27 =	vld [tilespmem:$0x1FC0]  }
0x108: {  	[tilespmem:$0x1FE60] =	vst v62;
	v62 =	vld [tilespmem:$0x1290]  }
0x109: {  	[tilespmem:$0x1FBB0] =	vst v61;
	v61 =	vld [tilespmem:$0x1070]  }
0x10a: {  	[tilespmem:$0x1FB90] =	vst v58;
	v58 =	vld [tilespmem:$0x1090]  }
0x10b: {  	v63 =	vadd.s32 v30, v4;
	v30 =	vld [tilespmem:$0x1FAA0]  }
0x10c: {  	v4 =	vadd.s32 v33, v5;
	v5 =	vadd.s32 v32, v39;
	v32 =	vld [tilespmem:$0x1FAC0]  }
0x10d: {  	[tilespmem:$0x1FC30] =	vst v62;
	v62 =	vld [tilespmem:$0x1390]  }
0x10e: {  	v10 =	vadd.s32 v14, v10;
	v33 =	vld [tilespmem:$0x1FAD0]  }
0x10f: {  	v10 =	vadd.s32 v15, v10;
	v39 =	vld [tilespmem:$0x1FB30]  }
0x110: {  	v10 =	vadd.s32 v16, v10;
	v34 =	vld [tilespmem:$0x1FAE0]  }
0x111: {  	v10 =	vadd.s32 v17, v10;
	v17 =	vld [tilespmem:$0x1BE0]  }
0x112: {  	v5 =	vadd.s32 v37, v5;
	[tilespmem:$0x1FC60] =	vst v62;
	v62 =	vld [tilespmem:$0x1490]  }
0x113: {  	v5 =	vadd.s32 v46, v5;
	v46 =	vld [tilespmem:$0x1FBB0]  }
0x114: {  	v10 =	vadd.s32 v18, v10;
	v5 =	vadd.s32 v54, v5;
	v54 =	vld [tilespmem:$0x1FA70]  }
0x115: {  	v10 =	vadd.s32 v19, v10;
	v19 =	vld [tilespmem:$0x1DE0]  }
0x116: {  	v3 =	vadd.s32 v3, v4;
	v4 =	vadd.s32 v38, v35;
	v35 =	vld [tilespmem:$0x1FAF0]  }
0x117: {  	[tilespmem:$0x1FC90] =	vst v62;
	v62 =	vld [tilespmem:$0x1590]  }
0x118: {  	v38 =	vld [tilespmem:$0x1FB20]  }
0x119: {  	v10 =	vadd.s32 v21, v10;
	v21 =	vld [tilespmem:$0x1EE0];
	v3 =	vadd.s32 v36, v3  }
0x11a: {  	v36 =	vld [tilespmem:$0x1FB00];
	v3 =	vadd.s32 v40, v3  }
0x11b: {  	v4 =	vadd.s32 v41, v4;
	v41 =	vld [tilespmem:$0x1FB50];
	v3 =	vadd.s32 v42, v3  }
0x11c: {  	v3 =	vadd.s32 v44, v3;
	[tilespmem:$0x1FCC0] =	vst v62;
	v62 =	vld [tilespmem:$0x1690]  }
0x11d: {  	v10 =	vadd.s32 v20, v10;
	v20 =	vld [tilespmem:$0x1FE0];
	v3 =	vadd.s32 v47, v3  }
0x11e: {  	v37 =	vld [tilespmem:$0x1FB10];
	v3 =	vadd.s32 v49, v3  }
0x11f: {  	v7 =	vadd.s32 v51, v5;
	v5 =	vadd.s32 v52, v3;
	v3 =	vld [tilespmem:$0x1FA50]  }
0x120: {  	v4 =	vadd.s32 v43, v4;
	v42 =	vld [tilespmem:$0x1FB60]  }
0x121: {  	v4 =	vadd.s32 v45, v4;
	[tilespmem:$0x1FCF0] =	vst v62;
	v62 =	vld [tilespmem:$0x1790]  }
0x122: {  	v4 =	vadd.s32 v48, v4;
	v44 =	vld [tilespmem:$0x1FB80]  }
0x123: {  	v61 =	vadd.s32 v61, v55;
	v4 =	vadd.s32 v50, v4;
	v40 =	vld [tilespmem:$0x1FB40]  }
0x124: {  	v3 =	vadd.s32 v3, v4;
	v4 =	vadd.s32 v53, v7;
	v7 =	vadd.s32 v31, v61;
	v31 =	vld [tilespmem:$0x13D0]  }
0x125: {  	v43 =	vld [tilespmem:$0x1FB70]  }
0x126: {  	[tilespmem:$0x1FD20] =	vst v62;
	v62 =	vld [tilespmem:$0x1890]  }
0x127: {  	v3 =	vadd.s32 v54, v3;
	v7 =	vadd.s32 v34, v7;
	v34 =	vld [tilespmem:$0x16D0]  }
0x128: {  	v4 =	vadd.s32 v60, v4;
	v3 =	vadd.s32 v29, v3;
	v29 =	vld [tilespmem:$0x11D0]  }
0x129: {  	v4 =	vadd.s32 v30, v4;
	v30 =	vld [tilespmem:$0x12D0]  }
0x12a: {  	v7 =	vadd.s32 v37, v7;
	v37 =	vld [tilespmem:$0x19D0]  }
0x12b: {  	[tilespmem:$0x1FD40] =	vst v62;
	v62 =	vld [tilespmem:$0x1990]  }
0x12c: {  	v3 =	vadd.s32 v32, v3;
	v32 =	vld [tilespmem:$0x14D0]  }
0x12d: {  	v4 =	vadd.s32 v33, v4;
	v33 =	vld [tilespmem:$0x15D0]  }
0x12e: {  	v7 =	vadd.s32 v40, v7;
	v40 =	vld [tilespmem:$0x1CD0]  }
0x12f: {  	v3 =	vadd.s32 v35, v3;
	v35 =	vld [tilespmem:$0x17D0]  }
0x130: {  	[tilespmem:$0x1FD80] =	vst v62;
	v62 =	vld [tilespmem:$0x1A90]  }
0x131: {  	v4 =	vadd.s32 v36, v4;
	v36 =	vld [tilespmem:$0x18D0]  }
0x132: {  	v3 =	vadd.s32 v38, v3;
	v45 =	vld [tilespmem:$0x1FBA0]  }
0x133: {  	v38 =	vld [tilespmem:$0x1AD0];
	v3 =	vadd.s32 v41, v3  }
0x134: {  	v12 =	vadd.s32 v43, v7;
	v7 =	vadd.s32 v44, v3;
	v3 =	vld [tilespmem:$0x1FB90]  }
0x135: {  	[tilespmem:$0x1FDB0] =	vst v62;
	v62 =	vld [tilespmem:$0x1B90]  }
0x136: {  	v47 =	vld [tilespmem:$0x1FBC0]  }
0x137: {  	v50 =	vld [tilespmem:$0x1FBF0]  }
0x138: {  	v53 =	vld [tilespmem:$0x1FC10]  }
0x139: {  	v52 =	vadd.s32 v58, v56;
	v4 =	vadd.s32 v39, v4;
	v56 =	vld [tilespmem:$0x1FC40]  }
0x13a: {  	v4 =	vadd.s32 v42, v4;
	[tilespmem:$0x1FDE0] =	vst v62;
	v62 =	vld [tilespmem:$0x1C90]  }
0x13b: {  	v3 =	vadd.s32 v3, v4;
	v4 =	vadd.s32 v45, v12;
	v61 =	vld [tilespmem:$0x1FC70]  }
0x13c: {  	v4 =	vadd.s32 v47, v4;
	v44 =	vld [tilespmem:$0x1FCA0]  }
0x13d: {  	v39 =	vld [tilespmem:$0x1BD0];
	v4 =	vadd.s32 v50, v4  }
0x13e: {  	v41 =	vld [tilespmem:$0x1DD0];
	v4 =	vadd.s32 v53, v4  }
0x13f: {  	v4 =	vadd.s32 v56, v4;
	[tilespmem:$0x1FE10] =	vst v62;
	v62 =	vld [tilespmem:$0x1D90]  }
0x140: {  	v4 =	vadd.s32 v61, v4;
	v47 =	vld [tilespmem:$0x1FCD0]  }
0x141: {  	v4 =	vadd.s32 v44, v4;
	v44 =	vld [tilespmem:$0x1FD0]  }
0x142: {  	v48 =	vld [tilespmem:$0x1FBD0]  }
0x143: {  	v49 =	vld [tilespmem:$0x1FBE0]  }
0x144: {  	[tilespmem:$0x1FE40] =	vst v62;
	v62 =	vld [tilespmem:$0x1E90]  }
0x145: {  	v51 =	vld [tilespmem:$0x1FC00]  }
0x146: {  	v54 =	vld [tilespmem:$0x1FC20]  }
0x147: {  	v58 =	vld [tilespmem:$0x1FC50]  }
0x148: {  	v42 =	vld [tilespmem:$0x1FC80]  }
0x149: {  	v12 =	vadd.s32 v48, v49;
	[tilespmem:$0x1FE70] =	vst v62;
	v62 =	vld [tilespmem:$0x1F90]  }
0x14a: {  	v50 =	vld [tilespmem:$0x1FD00];
	v12 =	vadd.s32 v51, v12  }
0x14b: {  	v12 =	vadd.s32 v54, v12;
	v45 =	vld [tilespmem:$0x1FCB0]  }
0x14c: {  	v4 =	vadd.s32 v47, v4;
	v47 =	vld [tilespmem:$0x12E0];
	v12 =	vadd.s32 v58, v12  }
0x14d: {  	v12 =	vadd.s32 v42, v12;
	v42 =	vld [tilespmem:$0x1ED0]  }
0x14e: {  	[tilespmem:$0x1FE90] =	vst v62;
	v62 =	vld [tilespmem:$0x10A0]  }
0x14f: {  	v48 =	vld [tilespmem:$0x1FCE0]  }
0x150: {  	v12 =	vadd.s32 v45, v12;
	v45 =	vld [tilespmem:$0x10E0]  }
0x151: {  	v51 =	vld [tilespmem:$0x1FD10]  }
0x152: {  	v53 =	vld [tilespmem:$0x1FD30]  }
0x153: {  	[tilespmem:$0x1FD50] =	vst v62;
	v62 =	vld [tilespmem:$0x11A0]  }
0x154: {  	v58 =	vld [tilespmem:$0x1FD70]  }
0x155: {  	v12 =	vadd.s32 v48, v12;
	v48 =	vld [tilespmem:$0x1FDA0]  }
0x156: {  	v55 =	vld [tilespmem:$0x1FC30]  }
0x157: {  	v60 =	vld [tilespmem:$0x1FC60]  }
0x158: {  	[tilespmem:$0x1FD60] =	vst v62;
	v62 =	vld [tilespmem:$0x12A0]  }
0x159: {  	v43 =	vld [tilespmem:$0x1FC90]  }
0x15a: {  	v3 =	vadd.s32 v46, v3;
	v46 =	vld [tilespmem:$0x1FCC0]  }
0x15b: {  	v49 =	vld [tilespmem:$0x1FCF0]  }
0x15c: {  	v13 =	vadd.s32 v55, v52;
	v52 =	vld [tilespmem:$0x1FD20]  }
0x15d: {  	v12 =	vadd.s32 v51, v12;
	[tilespmem:$0x1FD90] =	vst v62;
	v62 =	vld [tilespmem:$0x13A0]  }
0x15e: {  	v12 =	vadd.s32 v53, v12;
	v13 =	vadd.s32 v60, v13;
	v54 =	vld [tilespmem:$0x1FD40]  }
0x15f: {  	v12 =	vadd.s32 v58, v12;
	v51 =	vld [tilespmem:$0x1FDD0];
	v13 =	vadd.s32 v43, v13  }
0x160: {  	v12 =	vadd.s32 v48, v12;
	v48 =	vld [tilespmem:$0x13E0];
	v13 =	vadd.s32 v46, v13  }
0x161: {  	v58 =	vld [tilespmem:$0x1FE30];
	v13 =	vadd.s32 v49, v13  }
0x162: {  	v13 =	vadd.s32 v52, v13;
	[tilespmem:$0x1FDC0] =	vst v62;
	v62 =	vld [tilespmem:$0x14A0]  }
0x163: {  	v13 =	vadd.s32 v54, v13;
	v54 =	vld [tilespmem:$0x1FE00]  }
0x164: {  	v46 =	vld [tilespmem:$0x11E0]  }
0x165: {  	v60 =	vld [tilespmem:$0x1FD80]  }
0x166: {  	v49 =	vld [tilespmem:$0x1FDB0]  }
0x167: {  	v12 =	vadd.s32 v51, v12;
	[tilespmem:$0x1FDF0] =	vst v62;
	v62 =	vld [tilespmem:$0x15A0]  }
0x168: {  	v12 =	vadd.s32 v54, v12;
	v52 =	vld [tilespmem:$0x1FDE0]  }
0x169: {  	v12 =	vadd.s32 v58, v12;
	v58 =	vld [tilespmem:$0x1FEB0]  }
0x16a: {  	v55 =	vld [tilespmem:$0x1FD50]  }
0x16b: {  	v13 =	vadd.s32 v60, v13;
	v56 =	vld [tilespmem:$0x1FD60]  }
0x16c: {  	v13 =	vadd.s32 v49, v13;
	[tilespmem:$0x1FE20] =	vst v62;
	v62 =	vld [tilespmem:$0x16A0]  }
0x16d: {  	v13 =	vadd.s32 v52, v13;
	v52 =	vld [tilespmem:$0x1FE60]  }
0x16e: {  	v49 =	vld [tilespmem:$0x14E0]  }
0x16f: {  	v60 =	vld [tilespmem:$0x1FE40]  }
0x170: {  	v43 =	vadd.s32 v55, v56;
	v55 =	vld [tilespmem:$0x1FE10]  }
0x171: {  	[tilespmem:$0x1FE50] =	vst v62;
	v62 =	vld [tilespmem:$0x17A0]  }
0x172: {  	v12 =	vadd.s32 v52, v12;
	v52 =	vld [tilespmem:$0x16E0]  }
0x173: {  	v61 =	vld [tilespmem:$0x1FD90]  }
0x174: {  	v4 =	vadd.s32 v50, v4;
	v50 =	vld [tilespmem:$0x1FDC0]  }
0x175: {  	v13 =	vadd.s32 v55, v13;
	v55 =	vld [tilespmem:$0x1FE90]  }
0x176: {  	[tilespmem:$0x1FE80] =	vst v62;
	v62 =	vld [tilespmem:$0x18A0]  }
0x177: {  	v53 =	vld [tilespmem:$0x1FDF0]  }
0x178: {  	v43 =	vadd.s32 v61, v43;
	v13 =	vadd.s32 v60, v13;
	v60 =	vld [tilespmem:$0x1FEC0]  }
0x179: {  	v43 =	vadd.s32 v50, v43;
	v50 =	vld [tilespmem:$0x15E0]  }
0x17a: {  	v56 =	vld [tilespmem:$0x1FE20]  }
0x17b: {  	[tilespmem:$0x1FEA0] =	vst v62;
	v62 =	vld [tilespmem:$0x19A0]  }
0x17c: {  	v43 =	vadd.s32 v53, v43;
	v53 =	vld [tilespmem:$0x1FE70]  }
0x17d: {  	v61 =	vld [tilespmem:$0x1FE50]  }
0x17e: {  	v54 =	vld [tilespmem:$0x1FE80]  }
0x17f: {  	v43 =	vadd.s32 v56, v43;
	v56 =	vld [tilespmem:$0x1FEA0]  }
0x180: {  	[tilespmem:$0x1FED0] =	vst v62;
	v62 =	vld [tilespmem:$0x1AA0]  }
0x181: {  	v51 =	vadd.s32 v58, v60;
	v60 =	vld [tilespmem:$0x1FF00]  }
0x182: {  	v13 =	vadd.s32 v53, v13;
	v53 =	vld [tilespmem:$0x18E0];
	v43 =	vadd.s32 v61, v43  }
0x183: {  	v13 =	vadd.s32 v55, v13;
	v55 =	vld [tilespmem:$0x1FF30];
	v43 =	vadd.s32 v54, v43  }
0x184: {  	v43 =	vadd.s32 v56, v43;
	v56 =	vld [tilespmem:$0x1FEE0]  }
0x185: {  	v61 =	vld [tilespmem:$0x1FED0];
	[tilespmem:$0x1FEF0] =	vst v62  }
0x186: {  	v58 =	vld [tilespmem:$0x1FEF0]  }
0x187: {  	v62 =	vld [tilespmem:$0x1BA0]  }
0x188: {  	v54 =	vld [tilespmem:$0x1FF20]  }
0x189: {  	v51 =	vadd.s32 v56, v51;
	v56 =	vld [tilespmem:$0x1FF40]  }
0x18a: {  	v43 =	vadd.s32 v61, v43;
	v51 =	vadd.s32 v60, v51;
	v60 =	vld [tilespmem:$0x1FF60]  }
0x18b: {  	v43 =	vadd.s32 v58, v43;
	v58 =	vld [tilespmem:$0x1FF50]  }
0x18c: {  	v61 =	vadd.s32 v62, v43;
	v62 =	vld [tilespmem:$0x1FF10]  }
0x18d: {  	v14 =	vadd.s32 v54, v61;
	v61 =	vld [tilespmem:$0x1FF70]  }
0x18e: {  	v54 =	vld [tilespmem:$0x1CE0]  }
0x18f: {  	v14 =	vadd.s32 v56, v14;
	v56 =	vld [tilespmem:$0x1FFA0]  }
0x190: {  	v14 =	vadd.s32 v60, v14;
	v60 =	vld [tilespmem:$0x1FFB0]  }
0x191: {  	v43 =	vadd.s32 v62, v51;
	v51 =	vld [tilespmem:$0x19E0]  }
0x192: {  	v15 =	vadd.s32 v55, v43;
	v55 =	vld [tilespmem:$0x1FF90]  }
0x193: {  	v62 =	vld [tilespmem:$0x1FF80]  }
0x194: {  	v15 =	vadd.s32 v58, v15;
	v58 =	vadd.s32 v28, v29;
	v28 =	vld [tilespmem:$0x1FFD0]  }
0x195: {  	v10 =	vadd.s32 v22, v10;
	v15 =	vadd.s32 v61, v15;
	v61 =	vld [tilespmem:$0x1FFC0]  }
0x196: {  	v10 =	vadd.s32 v23, v10;
	v29 =	vld [tilespmem:$0x11F0]  }
0x197: {  	(xrf0) =	vadd.scan.msk.s32 $0xffff, v57;
	v10 =	vadd.s32 v24, v10;
	v16 =	vadd.s32 v30, v58;
	v30 =	vld [tilespmem:$0x1FFE0];
	v15 =	vadd.s32 v55, v15  }
0x198: {  	v16 =	vadd.s32 v31, v16;
	v14 =	vadd.s32 v62, v14;
	v62 =	vld [tilespmem:$0x10F0];
	v15 =	vadd.s32 v56, v15  }
0x199: {  	v10 =	vadd.s32 v25, v10;
	v43 =	vld [tilespmem:$0x1AE0];
	v16 =	vadd.s32 v32, v16;
	v15 =	vadd.s32 v60, v15  }
0x19a: {  	v31 =	vld [tilespmem:$0x12F0];
	v16 =	vadd.s32 v33, v16;
	v33 =	vadd.s32 v26, v10;
	v15 =	vadd.s32 v61, v15  }
0x19b: {  	v46 =	vadd.s32 v45, v46;
	v32 =	vld [tilespmem:$0x13F0];
	v16 =	vadd.s32 v34, v16;
	v15 =	vadd.s32 v28, v15  }
0x19c: {  	v34 =	vadd.s32 v35, v16;
	v35 =	vld [tilespmem:$0x14F0];
	v16 =	vadd.s32 v27, v33;
	v15 =	vadd.s32 v30, v15  }
0x19d: {  	v55 =	vld [tilespmem:$0x15F0];
	v36 =	vadd.s32 v36, v34;
	v33, _, _ =	vpop (xrf0);
	v18 =	vadd.s32 v62, v29;
	v6 =	vadd.s32 v6, v15  }
0x19e: {  	v56 =	vld [tilespmem:$0x16F0];
	(v2sf) =	vpush v33, $0xF;
	v15 =	vadd.s32 v8, v6;
	v8 =	vadd.s32 v47, v46  }
0x19f: {  	(xrf0) =	vadd.scan.msk.s32 $0xffff, v59;
	v58 =	vld [tilespmem:$0x17F0];
	v18 =	vadd.s32 v31, v18;
	v6 =	vadd.s32 v37, v36;
	v8 =	vadd.s32 v48, v8  }
0x1a0: {  	(xrf0) =	vadd.scan.msk.s32 $0xffff, v63;
	v60 =	vld [tilespmem:$0x18F0];
	v18 =	vadd.s32 v32, v18;
	v6 =	vadd.s32 v38, v6;
	v8 =	vadd.s32 v49, v8  }
0x1a1: {  	(xrf0) =	vadd.scan.msk.s32 $0xffff, v9;
	v61 =	vld [tilespmem:$0x19F0];
	v10 =	vadd.s32 v35, v18;
	v6 =	vadd.s32 v39, v6;
	v8 =	vadd.s32 v50, v8  }
0x1a2: {  	(xrf0) =	vadd.scan.msk.s32 $0xffff, v5;
	v62 =	vld [tilespmem:$0x1AF0];
	v10 =	vadd.s32 v55, v10;
	v6 =	vadd.s32 v40, v6;
	v8 =	vadd.s32 v52, v8  }
0x1a3: {  	(xrf0) =	vadd.scan.msk.s32 $0xffff, v7;
	v28 =	vld [tilespmem:$0x1BF0];
	v10 =	vadd.s32 v56, v10;
	v6 =	vadd.s32 v41, v6;
	v8 =	vadd.s32 v11, v8  }
0x1a4: {  	(xrf0) =	vadd.scan.msk.s32 $0xffff, v3;
	v32 =	vld [tilespmem:$0x1CF0];
	v31 =	vadd.s32 v58, v10;
	v6 =	vadd.s32 v42, v6;
	v30 =	vadd.s32 v53, v8  }
0x1a5: {  	v34 =	vld [tilespmem:$0x1DF0];
	v35, _, _ =	vpop (xrf0);
	(xrf0) =	vadd.scan.msk.s32 $0xffff, v4;
	v29 =	vadd.s32 v44, v6;
	v8 =	vadd.s32 v60, v31;
	v6 =	vadd.s32 v51, v30  }
0x1a6: {  	v36 =	vld [tilespmem:$0x1EF0];
	(v2sf) =	vpush v35, $0xF;
	v37, _, _ =	vpop (xrf0);
	(xrf0) =	vadd.scan.msk.s32 $0xffff, v12;
	v8 =	vadd.s32 v61, v8;
	v6 =	vadd.s32 v43, v6  }
0x1a7: {  	v38 =	vld [tilespmem:$0x1FF0];
	(v2sf) =	vpush v37, $0xF;
	v39, _, _ =	vpop (xrf0);
	(xrf0) =	vadd.scan.msk.s32 $0xffff, v13;
	v8 =	vadd.s32 v62, v8;
	v6 =	vadd.s32 v17, v6  }
0x1a8: {  	(v2sf) =	vpush v39, $0xF;
	v40, _, _ =	vpop (xrf0);
	(xrf0) =	vadd.scan.msk.s32 $0xffff, v14;
	v8 =	vadd.s32 v28, v8;
	v6 =	vadd.s32 v54, v6  }
0x1a9: {  	(v2sf) =	vpush v40, $0xF;
	v41, _, _ =	vpop (xrf0);
	(xrf0) =	vadd.scan.msk.s32 $0xffff, v15;
	v8 =	vadd.s32 v32, v8;
	v6 =	vadd.s32 v19, v6  }
0x1aa: {  	(v2sf) =	vpush v41, $0xF;
	v42, _, _ =	vpop (xrf0);
	(xrf0) =	vadd.scan.msk.s32 $0xffff, v16;
	v8 =	vadd.s32 v34, v8;
	v6 =	vadd.s32 v21, v6  }
0x1ab: {  	(v2sf) =	vpush v42, $0xF;
	v43, _, _ =	vpop (xrf0);
	(xrf0) =	vadd.scan.msk.s32 $0xffff, v29;
	v8 =	vadd.s32 v36, v8;
	v6 =	vadd.s32 v20, v6  }
0x1ac: {  	(v2sf) =	vpush v43, $0xF;
	v44, _, _ =	vpop (xrf0);
	v17 =	vadd.s32 v38, v8;
	(xrf0) =	vadd.scan.msk.s32 $0xffff, v6  }
0x1ad: {  	(v2sf) =	vpush v44, $0xF;
	v45, _, _ =	vpop (xrf0);
	(xrf0) =	vadd.scan.msk.s32 $0xffff, v17  }
0x1ae: {  	v46, _, _ =	vpop (xrf0);
	(v2sf) =	vpush v45, $0xF  }
0x1af: {  	v47, _, _ =	vpop (xrf0);
	(v2sf) =	vpush v46, $0xF  }
0x1b0: {  	v48, _, _ =	vpop (xrf0);
	(v2sf) =	vpush v47, $0xF  }
0x1b1: {  	v49, _, _ =	vpop (xrf0);
	(v2sf) =	vpush v48, $0xF  }
0x1b2: {  	(v2sf) =	vpush v49, $0xF;
	v50, _, _ =	vpop (xrf0)  }
0x1b3: {  	(v2sf) =	vpush v50, $0xF;
	v51, _, _ =	vpop (xrf0)  }
0x1b4: {  	s25 =	spop (v2sf);
	(v2sf) =	vpush v51, $0xF  }
0x1b5: {  	s28 =	spop (v2sf)  }
0x1b6: {  	s30 =	spop (v2sf)  }
0x1b7: {  	s29 =	spop (v2sf)  }
0x1b8: {  	s26 =	spop (v2sf)  }
0x1b9: {  	s24 =	spop (v2sf)  }
0x1ba: {  	s23 =	spop (v2sf)  }
0x1bb: {  	s22 =	spop (v2sf)  }
0x1bc: {  	s21 =	spop (v2sf)  }
0x1bd: {  	s20 =	spop (v2sf)  }
0x1be: {  	s19 =	spop (v2sf)  }
0x1bf: {  	s18 =	spop (v2sf)  }
0x1c0: {  	s16 =	spop (v2sf)  }
0x1c1: {  	s13 =	spop (v2sf)  }
0x1c2: {  	s15 =	spop (v2sf)  }
0x1c3: {  	s14 =	spop (v2sf)  }
0x1c4: {  	s17 =	sadd.s32 s15, s14;
	p0 =	sgt.s32 s14, $0x20  }
0x1c5: {  	p2 =	slt.s32 s14, $0x21;
	s15 =	sadd.s32 s13, s17;
	s13 =	simm.s32 $0xF  }
0x1c6: {  	p1 =	sgt.s32 s17, $0x20;
	p6 =	slt.s32 s17, $0x21;
	s16 =	sadd.s32 s16, s15  }
0x1c7: {  	s13 =	simm.s32 @!p0 $0x0;
	p4 =	por !p2, !p1;
	p5 =	sgt.s32 s15, $0x20  }
0x1c8: {  	p2 =	por !p4, !p4;
	s18 =	sadd.s32 s18, s16;
	p0 =	por !p6, !p5  }
0x1c9: {  	p3 =	sgt.s32 s16, $0x20;
	p4 =	slt.s32 s15, $0x21;
	p6 =	slt.s32 s16, $0x21  }
0x1ca: {  	s31 =	simm.s32 @!p2 $0x0;
	s13 =	simm.s32 @p2 $0xE;
	s19 =	sadd.s32 s19, s18  }
0x1cb: {  	p5 =	sgt.s32 s18, $0x20;
	s31 =	simm.s32 @p2 $0x1;
	p2 =	por !p0, !p0  }
0x1cc: {  	p0 =	por !p4, !p3;
	s20 =	sadd.s32 s20, s19;
	p3 =	sgt.s32 s19, $0x20  }
0x1cd: {  	p4 =	slt.s32 s18, $0x21;
	[smem:$0x7F4] =	sst s31;
	s31 =	simm.s32 @!p2 $0x0  }
0x1ce: {  	s13 =	simm.s32 @p2 $0xD;
	s21 =	sadd.s32 s21, s20;
	s31 =	simm.s32 @p2 $0x1  }
0x1cf: {  	p2 =	por !p0, !p0;
	p0 =	por !p6, !p5;
	p5 =	sgt.s32 s20, $0x20  }
0x1d0: {  	p6 =	slt.s32 s19, $0x21;
	s22 =	sadd.s32 s22, s21;
	[smem:$0x7F5] =	sst s31  }
0x1d1: {  	s31 =	simm.s32 @!p2 $0x0;
	s13 =	simm.s32 @p2 $0xC;
	s23 =	sadd.s32 s23, s22  }
0x1d2: {  	s31 =	simm.s32 @p2 $0x1;
	p2 =	por !p0, !p0;
	p0 =	por !p4, !p3  }
0x1d3: {  	p4 =	slt.s32 s20, $0x21;
	s24 =	sadd.s32 s24, s23;
	[smem:$0x7F6] =	sst s31  }
0x1d4: {  	s31 =	simm.s32 @!p2 $0x0;
	s13 =	simm.s32 @p2 $0xB;
	p3 =	por !p0, !p0  }
0x1d5: {  	p0 =	por !p6, !p5;
	p5 =	sgt.s32 s22, $0x20;
	p6 =	slt.s32 s21, $0x21  }
0x1d6: {  	s26 =	sadd.s32 s26, s24;
	s31 =	simm.s32 @p2 $0x1;
	p2 =	sgt.s32 s21, $0x20  }
0x1d7: {  	s13 =	simm.s32 @p3 $0xA;
	s29 =	sadd.s32 s29, s26;
	[smem:$0x7F7] =	sst s31  }
0x1d8: {  	s31 =	simm.s32 @!p3 $0x0;
	p1 =	por !p4, !p2;
	p2 =	sgt.s32 s23, $0x20  }
0x1d9: {  	p4 =	slt.s32 s22, $0x21;
	s30 =	sadd.s32 s30, s29;
	s31 =	simm.s32 @p3 $0x1  }
0x1da: {  	p3 =	por !p0, !p0;
	p0 =	por !p6, !p5;
	p5 =	sgt.s32 s24, $0x20  }
0x1db: {  	p6 =	slt.s32 s23, $0x21;
	s28 =	sadd.s32 s28, s30;
	[smem:$0x7F8] =	sst s31  }
0x1dc: {  	s31 =	simm.s32 @!p3 $0x0;
	s13 =	simm.s32 @p3 $0x9;
	s25 =	sadd.s32 s25, s28  }
0x1dd: {  	s31 =	simm.s32 @p3 $0x1;
	p3 =	por !p1, !p1;
	p1 =	por !p4, !p2  }
0x1de: {  	p2 =	sgt.s32 s26, $0x20;
	[smem:$0x7F9] =	sst s31;
	s31 =	simm.s32 @!p3 $0x0  }
0x1df: {  	p4 =	slt.s32 s24, $0x21;
	s13 =	simm.s32 @p3 $0x8;
	s31 =	simm.s32 @p3 $0x1  }
0x1e0: {  	p3 =	por !p0, !p0;
	p0 =	por !p6, !p5;
	p5 =	sgt.s32 s29, $0x20  }
0x1e1: {  	p6 =	slt.s32 s26, $0x21;
	[smem:$0x7FA] =	sst s31;
	s31 =	simm.s32 @!p3 $0x0  }
0x1e2: {  	s13 =	simm.s32 @p3 $0x7;
	s31 =	simm.s32 @p3 $0x1;
	p3 =	por !p1, !p1  }
0x1e3: {  	p1 =	por !p4, !p2;
	p4 =	sgt.s32 s30, $0x20;
	p2 =	sgt.s32 s25, $0x20  }
0x1e4: {  	[smem:$0x7FB] =	sst s31;
	s31 =	simm.s32 @!p3 $0x0;
	s13 =	simm.s32 @p3 $0x6  }
0x1e5: {  	s31 =	simm.s32 @p3 $0x1;
	p3 =	por !p0, !p0;
	p0 =	por !p6, !p5  }
0x1e6: {  	p5 =	por !p1, !p1;
	p6 =	slt.s32 s29, $0x21;
	[smem:$0x7FC] =	sst s31  }
0x1e7: {  	s31 =	simm.s32 @!p3 $0x0;
	s13 =	simm.s32 @p3 $0x5;
	p1 =	por !p6, !p4  }
0x1e8: {  	p6 =	slt.s32 s30, $0x21;
	s31 =	simm.s32 @p3 $0x1;
	p3 =	sgt.s32 s28, $0x20  }
0x1e9: {  	p4 =	por !p0, !p0;
	s13 =	simm.s32 @p5 $0x4;
	p0 =	por !p6, !p3  }
0x1ea: {  	s13 =	simm.s32 @p4 $0x3;
	p3 =	por !p1, !p1;
	p6 =	slt.s32 s28, $0x21  }
0x1eb: {  	p6 =	por !p6, !p2;
	s13 =	simm.s32 @p3 $0x2;
	p2 =	por !p0, !p0  }
0x1ec: {  	s13 =	simm.s32 @p2 $0x1;
	p1 =	por !p6, !p6  }
0x1ed: {  	s13 =	simm.s32 @p1 $0x0  }
0x1ee: {  	p6 =	seq.s32 s13, $0x0  }
0x1ef: {  	v52 =	vpsel !p6, $0x0, v57;
	p6 =	seq.s32 s13, $0x2  }
0x1f0: {  	v54 =	vpsel !p6, $0x0, v63;
	p6 =	seq.s32 s13, $0x3  }
0x1f1: {  	v9 =	vpsel !p6, $0x0, v9;
	p6 =	seq.s32 s13, $0x4  }
0x1f2: {  	v5 =	vpsel !p6, $0x0, v5;
	p6 =	seq.s32 s13, $0x5  }
0x1f3: {  	[smem:$0x7FD] =	sst s31;
	v7 =	vpsel !p6, $0x0, v7;
	p6 =	seq.s32 s13, $0x6  }
0x1f4: {  	s31 =	sld [smem:$0x7F4];
	v3 =	vpsel !p6, $0x0, v3;
	p6 =	seq.s32 s13, $0x7  }
0x1f5: {  	v4 =	vpsel !p6, $0x0, v4;
	p6 =	seq.s32 s13, $0x8  }
0x1f6: {  	v55 =	vpsel !p6, $0x0, v12;
	p6 =	seq.s32 s13, $0x9  }
0x1f7: {  	v56 =	vpsel !p6, $0x0, v13;
	p6 =	seq.s32 s31, $0x1;
	s31 =	sld [smem:$0x7F5];
	_ =	sdelay $0x1  }
0x1f8: {  	s25 =	sld [smem:$0x7F6]  }
0x1f9: {  	s14 =	simm.s32 @!p6 $0x0;
	p6 =	seq.s32 s31, $0x1;
	s31 =	sld [smem:$0x7F7]  }
0x1fa: {  	s14 =	smov.u32 @p6 s17;
	s17 =	sld [smem:$0x7F8]  }
0x1fb: {  	p6 =	seq.s32 s25, $0x1  }
0x1fc: {  	p0 =	seq.s32 s13, $0x1;
	s14 =	smov.u32 @p6 s15;
	p6 =	seq.s32 s31, $0x1  }
0x1fd: {  	v53 =	vpsel !p0, $0x0, v59;
	s14 =	smov.u32 @p6 s16;
	p6 =	seq.s32 s17, $0x1  }
0x1fe: {  	v8 =	vadd.s32 v53, v52;
	s14 =	smov.u32 @p6 s18;
	s18 =	sld [smem:$0x7F9]  }
0x1ff: {  	p0 =	seq.s32 s13, $0xA;
	v8 =	vadd.s32 v54, v8  }
0x200: {  	v57 =	vpsel !p0, $0x0, v14;
	p0 =	seq.s32 s13, $0xB;
	v8 =	vadd.s32 v9, v8  }
0x201: {  	v58 =	vpsel !p0, $0x0, v15;
	p0 =	seq.s32 s13, $0xC;
	v5 =	vadd.s32 v5, v8;
	p6 =	seq.s32 s18, $0x1  }
0x202: {  	v59 =	vpsel !p0, $0x0, v16;
	p0 =	seq.s32 s13, $0xD;
	v5 =	vadd.s32 v7, v5;
	s14 =	smov.u32 @p6 s19;
	s19 =	sld [smem:$0x7FA]  }
0x203: {  	v60 =	vpsel !p0, $0x0, v29;
	p0 =	seq.s32 s13, $0xE;
	v3 =	vadd.s32 v3, v5  }
0x204: {  	v61 =	vpsel !p0, $0x0, v6;
	p0 =	seq.s32 s13, $0xF;
	v3 =	vadd.s32 v4, v3  }
0x205: {  	v62 =	vpsel !p0, $0x0, v17;
	v3 =	vadd.s32 v55, v3;
	p0 =	seq.s32 s19, $0x1  }
0x206: {  	v3 =	vadd.s32 v56, v3;
	s14 =	smov.u32 @p0 s20;
	s20 =	sld [smem:$0x7FB]  }
0x207: {  	v3 =	vadd.s32 v57, v3  }
0x208: {  	v63 =	vld [tilespmem:$0x1FFF0];
	v3 =	vadd.s32 v58, v3  }
0x209: {  	v3 =	vadd.s32 v59, v3;
	p0 =	seq.s32 s20, $0x1  }
0x20a: {  	v3 =	vadd.s32 v60, v3;
	s14 =	smov.u32 @p0 s21;
	s21 =	sld [smem:$0x7FC]  }
0x20b: {  	s25 =	sld [smem:$0x7FD];
	v3 =	vadd.s32 v61, v3  }
0x20c: {  	v3 =	vadd.s32 v62, v3  }
0x20d: {  	v3 =	vperm.xlane v3, v63;
	p0 =	seq.s32 s21, $0x1  }
0x20e: {  	s14 =	smov.u32 @p0 s22;
	p0 =	seq.s32 s25, $0x1  }
0x20f: {  	(xrf0) =	vadd.scan.msk.s32 $0xffff, v3;
	s14 =	smov.u32 @p0 s23  }
0x210: {  	s14 =	smov.u32 @p5 s24  }
0x211: {  	s14 =	smov.u32 @p4 s26  }
0x212: {  	s14 =	smov.u32 @p3 s29  }
0x213: {  	s14 =	smov.u32 @p2 s30  }
0x214: {  	s14 =	smov.u32 @p1 s28  }
0x215: {  	v3, _, _ =	vpop (xrf0);
	s14 =	ssub.s32 $0x21, s14  }
0x216: {  	vm0 =	vge.s32 v3, s14  }
0x217: {  	s31 =	sand.u32 $0xF, s12;
	v3 =	vmctz.xlane vm0  }
0x218: {  	p0 =	sne.s32 s31, $0xF  }
0x219: {  	(xrf0) =	vadd.scan.msk.s32 @!p0 $0xffff, v3;
	_ =	sdelay $0x5  }
0x21a: {  	v3, _, _ =	vpop @!p0 (xrf0)  }
0x21b: {  	(v2sf) =	vpush @!p0 v3, $0xF;
	_ =	sdelay $0xe  }
0x21c: {  	s14 =	spop @!p0 (v2sf)  }
0x21d: {  	s15 =	sand.u32 @!p0 $0xF, s14  }
0x21e: {  	p1 =	slt.s32 @!p0 s14, $0x1;
	p2 =	sne.s32 @!p0 s15, $0x0  }
0x21f: {  	s15 =	sshra.s32 @!p0 s14, $0x1F;
	p1 =	por @!p0 !p1, !p2  }
0x220: {  	s15 =	sshrl.u32 @!p0 s15, $0x1C;
	p1 =	por @!p0 !p1, !p1  }
0x221: {  	s14 =	sadd.s32 @!p0 s15, s14;
	s15 =	simm.s32 @!p0 $0x1;
	p1 =	por !p1, p0  }
0x222: {  	s14 =	sshra.s32 @!p0 s14, $0x4;
	s15 =	simm.s32 @p1 $0x0  }
0x223: {  	s13 =	sshll.u32 @!p0 s13, $0x4;
	s14 =	ssub.s32 @!p0 s15, s14  }
0x224: {  	s13 =	sadd.s32 @!p0 s13, s14  }
0x225: {  	s13 =	sadd.s32 @!p0 $0xF, s13  }
0x226: {  	s13 =	scvt.s32.f32 @!p0 s13;
	_ =	sdelay $0x1  }
0x227: {  	s13 =	smul.f32 @!p0 $8.000000380e-03, s13;
	_ =	sdelay $0x1  }
0x228: {  	v4 =	vlaneseq.u32 @!p0;
	v3 =	vcvt.s32.f32 @!p0 v17;
	s13 =	sadd.f32 @!p0 $-1.009999990e+00, s13  }
0x229: {  	vm0 =	veq.s32 @!p0 v4, $0xF  }
0x22a: {  	v3 =	vsel @!p0 vm0, s13, v3  }
0x22b: {  	[tilespmem:s12+$0x1FF1] =	vst @!p0 v3;
	s12 =	sadd.s32 $0x1, s12  }
0x22c: {  	p0 =	sne.s32 s12, $0x80  }
.Ltmp2:
0x22d: {  	_ = 	snop;
	(pc) =	sbr.rel @p0 .LBB2_2-.Ltmp2, $1  }
0x22e: {  	_ =	sdelay $0x3  }
0x22f: {  	s11 =	sadd.s32 $0x1, s11  }
0x230: {  	p0 =	sne.s32 s11, s5  }
.Ltmp3:
0x231: {  	_ = 	snop;
	(pc) =	sbr.rel @p0 .LBB2_1-.Ltmp3, $4  }
0x232: {  	[hbm4b:s4+s2] =	stream.linear.scatter [tilespmem:s10], [sflag:$0x1], $0x80, $0x38;
	[tilespmem:$0x2080] =	vst v63  }
0x233: {  	_ =	swait.ge [sflag:s8], $0x80  }
0x234: {  	[sflag:s8] =	ssyncset.done $0x0  }
0x235: {  	[sflag:s8] =	ssyncadd.s32 $0xFFFFFF80  }
0x236: {  	_ =	sfence.sel $0x180000  }
0x237: {  	[bflag:$0x0] =	sbarrier.arrive $0xFFFF  }
0x238: {  	p0 =	sne.s32 s1, $0x0;
	_ =	strace $0x90000047  }
0x239: {  	s0 =	sadd.s32 @!p0 $0x100000, s0;
	[bflag:$0x2] =	sbarrier.arrive $0xFFFF  }
0x23a: {  	[sflag:s0] =	ssyncadd.tile.s32 @!p0 $0x1;
	_ =	shalt  }
.Lfunc_end2:
_tile_overlayer_lowered:
.L_overlay_start_2:
0x23b: {  	(tag) =	ssettag $0x2  }
0x23c: {  	s0 =	rddreg [dreg:$0x0];
	s2 =	stileid.u32  }
0x23d: {  	s1 =	rddreg [dreg:$0x1];
	p0 =	sne.s32 s2, $0x0  }
0x23e: {  	s3 =	rddreg [dreg:$0x2];
	[bflag:$0x3] =	sbarrier.arrive $0xFFFF;
	s2 =	simm.s32 @!p0 $0x1C01  }
0x23f: {  	[timem:s3], [sflag:s2] =	dma.local @!p0 [hbm:s0], s1  }
0x240: {  	s0 =	simm.s32 @!p0 $0x1  }
0x241: {  	_ =	swait.ge @!p0 [sflag:s0], s1  }
0x242: {  	s1 =	ssub.s32 @!p0 $0x0, s1;
	[sflag:s0] =	ssyncset.done @!p0 $0x0  }
0x243: {  	[sflag:s0] =	ssyncadd.s32 @!p0 s1  }
0x244: {  	[bflag:$0x3] =	sbarrier.arrive $0xFFFF  }
0x245: {  	_ =	shalt  }

</sc_bundles>
